<compile_context>
chip_gen: v7x
topology: tpu7x:2x2x1
jax: 0.10.2.dev20260603
libtpu: 0.0.44.dev20260713+nightly
codegen_flags: <defaults>
</compile_context>

<pallas_src>
import functools

import jax
import jax.numpy as jnp
from jax import lax
from jax.experimental import pallas as pl
from jax.experimental.pallas import tpu as pltpu
from jax.experimental.pallas import tpu_sc as plsc

EMB = 64
BATCH = 4096
NROWS = 100000
L = 16
NC = 2
NS = 16
NW = NC * NS
NCHUNK = BATCH // L


def _sc_gather_dot(u_t, f_t, ub1, fb1, uid, fid):
    mesh = plsc.VectorSubcoreMesh(core_axis_name="c", subcore_axis_name="s")

    @functools.partial(
        pl.kernel,
        mesh=mesh,
        compiler_params=pltpu.CompilerParams(needs_layout_passes=False),
        out_type=(
            jax.ShapeDtypeStruct((NW, L), jnp.float32),
            jax.ShapeDtypeStruct((BATCH,), jnp.float32),
            jax.ShapeDtypeStruct((BATCH,), jnp.float32),
        ),
        scratch_types=[
            pltpu.VMEM((BATCH,), jnp.int32),
            pltpu.VMEM((BATCH,), jnp.int32),
            pltpu.VMEM((NROWS,), jnp.float32),
            pltpu.VMEM((BATCH,), jnp.float32),
            pltpu.VMEM((L,), jnp.float32),
        ],
    )
    def k(ut_h, ft_h, ub_h, fb_h, uid_h, fid_h,
          part_out, ubg_out, fbg_out,
          uid_v, fid_v, row_v, g_v, acc_v):
        wid = lax.axis_index("s") * NC + lax.axis_index("c")
        pltpu.sync_copy(uid_h, uid_v)
        pltpu.sync_copy(fid_h, fid_v)

        def gather_to_g(c, _):
            for q in range(4):
                sl = pl.ds((c * 4 + q) * L, L)
                g_v[sl] = plsc.load_gather(row_v, [uid_v[sl]])
            return 0

        def gather_f_fma(c, accs):
            a = list(accs)
            for q in range(4):
                sl = pl.ds((c * 4 + q) * L, L)
                a[q] = a[q] + plsc.load_gather(row_v, [fid_v[sl]]) * g_v[sl]
            return tuple(a)

        z = jnp.zeros((L,), jnp.float32)
        accs = (z, z, z, z)
        for p in range(2):
            d = wid + NW * p
            pltpu.sync_copy(ut_h.at[d], row_v)
            lax.fori_loop(0, NCHUNK // 4, gather_to_g, 0)
            pltpu.sync_copy(ft_h.at[d], row_v)
            accs = lax.fori_loop(0, NCHUNK // 4, gather_f_fma, accs)

        a0, a1, a2, a3 = accs
        acc_v[...] = (a0 + a1) + (a2 + a3)
        pltpu.sync_copy(acc_v, part_out.at[wid])

        @pl.when(wid == 0)
        def _():
            pltpu.sync_copy(ub_h, row_v)
            lax.fori_loop(0, NCHUNK // 4, gather_to_g, 0)
            pltpu.sync_copy(g_v, ubg_out)

        @pl.when(wid == 1)
        def _():
            pltpu.sync_copy(fb_h, row_v)

            def gather_fb(c, _):
                for q in range(4):
                    sl = pl.ds((c * 4 + q) * L, L)
                    g_v[sl] = plsc.load_gather(row_v, [fid_v[sl]])
                return 0

            lax.fori_loop(0, NCHUNK // 4, gather_fb, 0)
            pltpu.sync_copy(g_v, fbg_out)

    return k(u_t, f_t, ub1, fb1, uid, fid)


def _tc_mlp(partials, ub, fb, w1r, b1r, w2, b2r, w3r, b3r):
    def body(p_ref, ub_ref, fb_ref, w1_ref, b1_ref, w2_ref, b2_ref,
             w3_ref, b3_ref, out_ref):
        s = jnp.sum(p_ref[...])
        x = s + ub_ref[...] + fb_ref[...]
        h1 = jnp.maximum(x * w1_ref[...] + b1_ref[...], 0.0)
        h2 = jnp.maximum(
            jnp.dot(h1, w2_ref[...], preferred_element_type=jnp.float32)
            + b2_ref[...], 0.0)
        zz = jnp.sum(h2 * w3_ref[...], axis=1, keepdims=True) + b3_ref[...]
        out_ref[...] = 1.0 / (1.0 + jnp.exp(-zz))

    return pl.pallas_call(
        body,
        out_shape=jax.ShapeDtypeStruct((BATCH, 1), jnp.float32),
    )(partials, ub, fb, w1r, b1r, w2, b2r, w3r, b3r)


def kernel(inputs, user_emb, user_bias, food_emb, food_bias, W1, b1, W2, b2, W3, b3):
    idx = inputs.astype(jnp.int32)
    uid = idx[:, 0]
    fid = idx[:, 1]
    partials, ubg, fbg = _sc_gather_dot(
        user_emb.T, food_emb.T,
        user_bias.reshape(-1), food_bias.reshape(-1),
        uid, fid)
    return _tc_mlp(
        partials, ubg.reshape(BATCH, 1), fbg.reshape(BATCH, 1),
        W1.reshape(1, 128), b1.reshape(1, 128),
        W2, b2.reshape(1, 64),
        W3.reshape(1, 64), b3.reshape(1, 1))

# --- scband reference (transcript-rebuilt; emitter-appended) ---
"""Pipeline reference for scband-recommender-net-76828374991748 (READ-ONLY COPY).

The authoritative reference and input builder live on the scoring server;
editing this copy changes nothing except your own understanding.
"""

import jax, jax.numpy as jnp
import numpy as np

NUM_USERS = 100000
NUM_FOODS = 100000
EMB = 64
BATCH = 4096


def setup_inputs(seed: int = 0) -> dict:
    key = jax.random.key(seed)
    ks = jax.random.split(key, 12)
    inputs = jax.random.randint(ks[0], (BATCH, 2), 0, NUM_USERS, dtype=jnp.int64)
    # he_normal for embeddings: stddev = sqrt(2 / fan_in), fan_in = embedding_size
    user_emb = jax.random.normal(ks[1], (NUM_USERS, EMB), dtype=jnp.float32) * np.sqrt(2.0 / EMB)
    food_emb = jax.random.normal(ks[2], (NUM_FOODS, EMB), dtype=jnp.float32) * np.sqrt(2.0 / EMB)
    user_bias = jnp.zeros((NUM_USERS, 1), dtype=jnp.float32)
    food_bias = jnp.zeros((NUM_FOODS, 1), dtype=jnp.float32)
    # Dense layers (glorot_uniform-like init)
    def glorot(k, fan_in, fan_out):
        lim = np.sqrt(6.0 / (fan_in + fan_out))
        return jax.random.uniform(k, (fan_in, fan_out), dtype=jnp.float32, minval=-lim, maxval=lim)
    W1 = glorot(ks[3], 1, 128)
    b1 = jnp.zeros((128,), dtype=jnp.float32)
    W2 = glorot(ks[4], 128, 64)
    b2 = jnp.zeros((64,), dtype=jnp.float32)
    W3 = glorot(ks[5], 64, 1)
    b3 = jnp.zeros((1,), dtype=jnp.float32)
    return {"inputs": inputs, "user_emb": user_emb, "user_bias": user_bias,
            "food_emb": food_emb, "food_bias": food_bias,
            "W1": W1, "b1": b1, "W2": W2, "b2": b2, "W3": W3, "b3": b3}


def reference(inputs, user_emb, user_bias, food_emb, food_bias, W1, b1, W2, b2, W3, b3):
    uid = inputs[:, 0]
    fid = inputs[:, 1]
    user_vector = jnp.take(user_emb, uid, axis=0)          # [B, EMB]
    user_b = jnp.take(user_bias, uid, axis=0)              # [B, 1]
    food_vector = jnp.take(food_emb, fid, axis=0)          # [B, EMB]
    food_b = jnp.take(food_bias, fid, axis=0)              # [B, 1]
    # tf.tensordot(user_vector, food_vector, 2): full contraction over both axes -> scalar
    dot_user_movie = jnp.tensordot(user_vector, food_vector, 2)
    x = dot_user_movie + user_b + food_b                   # [B, 1] via broadcast
    h1 = jax.nn.relu(x @ W1 + b1)                          # [B, 128]
    h2 = jax.nn.relu(h1 @ W2 + b2)                         # [B, 64]
    out = jax.nn.sigmoid(h2 @ W3 + b3)                     # [B, 1]
    return out

if __name__ == "__main__":
    import jax
    _d = setup_inputs()
    print(jax.jit(kernel)(*tuple(_d.values())))

</pallas_src>

<mosaic_0001>
#map = affine_map<(d0, d1) -> (0, 0)>
#map1 = affine_map<(d0, d1) -> (0)>
module attributes {stable_mosaic.version = 14 : i64} {
  func.func @k(%arg0: i32, %arg1: i32, %arg2: memref<64x100000xf32, #tpu.memory_space<hbm>>, %arg3: memref<64x100000xf32, #tpu.memory_space<hbm>>, %arg4: memref<100000xf32, #tpu.memory_space<hbm>>, %arg5: memref<100000xf32, #tpu.memory_space<hbm>>, %arg6: memref<4096xi32, #tpu.memory_space<hbm>>, %arg7: memref<4096xi32, #tpu.memory_space<hbm>>, %arg8: memref<32x16xf32, #tpu.memory_space<hbm>>, %arg9: memref<4096xf32, #tpu.memory_space<hbm>>, %arg10: memref<4096xf32, #tpu.memory_space<hbm>>, %arg11: memref<4096xi32, #tpu.memory_space<vmem>>, %arg12: memref<4096xi32, #tpu.memory_space<vmem>>, %arg13: memref<100000xf32, #tpu.memory_space<vmem>>, %arg14: memref<4096xf32, #tpu.memory_space<vmem>>, %arg15: memref<16xf32, #tpu.memory_space<vmem>>) attributes {dimension_semantics = [#tpu.dimension_semantics<core_parallel>, #tpu.dimension_semantics<subcore_parallel>], iteration_bounds = array<i64: 2, 16>, scalar_prefetch = 0 : i64, scratch_operands = 5 : i64, tpu.core_type = #tpu.core_type<sc_vector_subcore>, window_params = [{transform_indices = #map}, {transform_indices = #map}, {transform_indices = #map1}, {transform_indices = #map1}, {transform_indices = #map1}, {transform_indices = #map1}, {transform_indices = #map}, {transform_indices = #map1}, {transform_indices = #map1}]} {
    %mul3A = arith.constant 2 : i32
    %mul3A_0 = arith.muli %arg1, %mul3A : i32
    %add3A = arith.addi %mul3A_0, %arg0 : i32
    "tpu.region"() ({
      %run_scoped3A = tpu.sem_alloc : memref<!tpu.dma_semaphore, #tpu.memory_space<semaphore_mem>>
      tpu.enqueue_dma source(%arg6 : memref<4096xi32, #tpu.memory_space<hbm>>) target(%arg11 : memref<4096xi32, #tpu.memory_space<vmem>>) target_semaphore(%run_scoped3A : memref<!tpu.dma_semaphore, #tpu.memory_space<semaphore_mem>>)
      tpu.wait_dma2 semaphore(%run_scoped3A : memref<!tpu.dma_semaphore, #tpu.memory_space<semaphore_mem>>) src(%arg6 : memref<4096xi32, #tpu.memory_space<hbm>>) dst(%arg11 : memref<4096xi32, #tpu.memory_space<vmem>>)
      tpu.yield
    }) : () -> ()
    "tpu.region"() ({
      %run_scoped3A = tpu.sem_alloc : memref<!tpu.dma_semaphore, #tpu.memory_space<semaphore_mem>>
      tpu.enqueue_dma source(%arg7 : memref<4096xi32, #tpu.memory_space<hbm>>) target(%arg12 : memref<4096xi32, #tpu.memory_space<vmem>>) target_semaphore(%run_scoped3A : memref<!tpu.dma_semaphore, #tpu.memory_space<semaphore_mem>>)
      tpu.wait_dma2 semaphore(%run_scoped3A : memref<!tpu.dma_semaphore, #tpu.memory_space<semaphore_mem>>) src(%arg7 : memref<4096xi32, #tpu.memory_space<hbm>>) dst(%arg12 : memref<4096xi32, #tpu.memory_space<vmem>>)
      tpu.yield
    }) : () -> ()
    %broadcast_in_dim3A = arith.constant 0.000000e+00 : f32
    %broadcast_in_dim3A_1 = vector.broadcast %broadcast_in_dim3A : f32 to vector<16xf32>
    %add3A_2 = arith.constant 0 : i32
    %add3A_3 = arith.addi %add3A, %add3A_2 : i32
    "tpu.region"() ({
      %run_scoped3A = tpu.sem_alloc : memref<!tpu.dma_semaphore, #tpu.memory_space<semaphore_mem>>
      %dma_start3A = arith.constant 0 : i32
      %dma_start3A_42 = tpu.memref_slice %arg2[%add3A_3, %dma_start3A] : memref<64x100000xf32, #tpu.memory_space<hbm>> -> memref<1x100000xf32, #tpu.memory_space<hbm>>
      %dma_start3A_43 = tpu.memref_squeeze %dma_start3A_42 : memref<1x100000xf32, #tpu.memory_space<hbm>> -> memref<100000xf32, #tpu.memory_space<hbm>>
      %dma_start3A_44 = arith.constant 0 : i32
      %dma_start3A_45 = tpu.memref_slice %arg2[%add3A_3, %dma_start3A_44] : memref<64x100000xf32, #tpu.memory_space<hbm>> -> memref<1x100000xf32, #tpu.memory_space<hbm>>
      %dma_start3A_46 = tpu.memref_squeeze %dma_start3A_45 : memref<1x100000xf32, #tpu.memory_space<hbm>> -> memref<100000xf32, #tpu.memory_space<hbm>>
      tpu.enqueue_dma source(%dma_start3A_46 : memref<100000xf32, #tpu.memory_space<hbm>>) target(%arg13 : memref<100000xf32, #tpu.memory_space<vmem>>) target_semaphore(%run_scoped3A : memref<!tpu.dma_semaphore, #tpu.memory_space<semaphore_mem>>)
      %dma_wait3A = arith.constant 0 : i32
      %dma_wait3A_47 = tpu.memref_slice %arg2[%add3A_3, %dma_wait3A] : memref<64x100000xf32, #tpu.memory_space<hbm>> -> memref<1x100000xf32, #tpu.memory_space<hbm>>
      %dma_wait3A_48 = tpu.memref_squeeze %dma_wait3A_47 : memref<1x100000xf32, #tpu.memory_space<hbm>> -> memref<100000xf32, #tpu.memory_space<hbm>>
      %dma_wait3A_49 = arith.constant 0 : i32
      %dma_wait3A_50 = tpu.memref_slice %arg2[%add3A_3, %dma_wait3A_49] : memref<64x100000xf32, #tpu.memory_space<hbm>> -> memref<1x100000xf32, #tpu.memory_space<hbm>>
      %dma_wait3A_51 = tpu.memref_squeeze %dma_wait3A_50 : memref<1x100000xf32, #tpu.memory_space<hbm>> -> memref<100000xf32, #tpu.memory_space<hbm>>
      tpu.wait_dma2 semaphore(%run_scoped3A : memref<!tpu.dma_semaphore, #tpu.memory_space<semaphore_mem>>) src(%dma_wait3A_51 : memref<100000xf32, #tpu.memory_space<hbm>>) dst(%arg13 : memref<100000xf32, #tpu.memory_space<vmem>>)
      tpu.yield
    }) : () -> ()
    %scan3A = arith.constant 0 : i32
    %scan3A_4 = arith.constant 0 : i32
    %scan3A_5 = arith.constant 64 : i32
    %scan3A_6 = arith.addi %scan3A_4, %scan3A_5 : i32
    %scan3A_7 = arith.constant 1 : i32
    %scan3A_8 = scf.for %scan3A_42 = %scan3A_4 to %scan3A_6 step %scan3A_7 iter_args(%scan3A_43 = %scan3A) -> (i32)  : i32 {
      %mul3A_44 = arith.constant 4 : i32
      %mul3A_45 = arith.muli %scan3A_42, %mul3A_44 : i32
      %add3A_46 = arith.constant 0 : i32
      %add3A_47 = arith.addi %mul3A_45, %add3A_46 : i32
      %mul3A_48 = arith.constant 16 : i32
      %mul3A_49 = arith.muli %add3A_47, %mul3A_48 : i32
      %get3A = arith.index_cast %mul3A_49 : i32 to index
      %get3A_50 = tpu.vector_load %arg11[%get3A] {strides = array<i32>} : memref<4096xi32, #tpu.memory_space<vmem>>, vector<16xi32>,
      %gather3A = tpu.vector_load_idx %arg13[%get3A_50] : memref<100000xf32, #tpu.memory_space<vmem>>[vector<16xi32>], vector<16xf32>,
      %swap3A_51 = arith.index_cast %mul3A_49 : i32 to index
      %swap3A_52 = tpu.vector_load %arg14[%swap3A_51] {strides = array<i32>} : memref<4096xf32, #tpu.memory_space<vmem>>, vector<16xf32>,
      tpu.vector_store %arg14[%swap3A_51], %gather3A {strides = array<i32>} : memref<4096xf32, #tpu.memory_space<vmem>>, vector<16xf32>,
      %mul3A_53 = arith.constant 4 : i32
      %mul3A_54 = arith.muli %scan3A_42, %mul3A_53 : i32
      %add3A_55 = arith.constant 1 : i32
      %add3A_56 = arith.addi %mul3A_54, %add3A_55 : i32
      %mul3A_57 = arith.constant 16 : i32
      %mul3A_58 = arith.muli %add3A_56, %mul3A_57 : i32
      %get3A_59 = arith.index_cast %mul3A_58 : i32 to index
      %get3A_60 = tpu.vector_load %arg11[%get3A_59] {strides = array<i32>} : memref<4096xi32, #tpu.memory_space<vmem>>, vector<16xi32>,
      %gather3A_61 = tpu.vector_load_idx %arg13[%get3A_60] : memref<100000xf32, #tpu.memory_space<vmem>>[vector<16xi32>], vector<16xf32>,
      %swap3A_62 = arith.index_cast %mul3A_58 : i32 to index
      %swap3A_63 = tpu.vector_load %arg14[%swap3A_62] {strides = array<i32>} : memref<4096xf32, #tpu.memory_space<vmem>>, vector<16xf32>,
      tpu.vector_store %arg14[%swap3A_62], %gather3A_61 {strides = array<i32>} : memref<4096xf32, #tpu.memory_space<vmem>>, vector<16xf32>,
      %mul3A_64 = arith.constant 4 : i32
      %mul3A_65 = arith.muli %scan3A_42, %mul3A_64 : i32
      %add3A_66 = arith.constant 2 : i32
      %add3A_67 = arith.addi %mul3A_65, %add3A_66 : i32
      %mul3A_68 = arith.constant 16 : i32
      %mul3A_69 = arith.muli %add3A_67, %mul3A_68 : i32
      %get3A_70 = arith.index_cast %mul3A_69 : i32 to index
      %get3A_71 = tpu.vector_load %arg11[%get3A_70] {strides = array<i32>} : memref<4096xi32, #tpu.memory_space<vmem>>, vector<16xi32>,
      %gather3A_72 = tpu.vector_load_idx %arg13[%get3A_71] : memref<100000xf32, #tpu.memory_space<vmem>>[vector<16xi32>], vector<16xf32>,
      %swap3A_73 = arith.index_cast %mul3A_69 : i32 to index
      %swap3A_74 = tpu.vector_load %arg14[%swap3A_73] {strides = array<i32>} : memref<4096xf32, #tpu.memory_space<vmem>>, vector<16xf32>,
      tpu.vector_store %arg14[%swap3A_73], %gather3A_72 {strides = array<i32>} : memref<4096xf32, #tpu.memory_space<vmem>>, vector<16xf32>,
      %mul3A_75 = arith.constant 4 : i32
      %mul3A_76 = arith.muli %scan3A_42, %mul3A_75 : i32
      %add3A_77 = arith.constant 3 : i32
      %add3A_78 = arith.addi %mul3A_76, %add3A_77 : i32
      %mul3A_79 = arith.constant 16 : i32
      %mul3A_80 = arith.muli %add3A_78, %mul3A_79 : i32
      %get3A_81 = arith.index_cast %mul3A_80 : i32 to index
      %get3A_82 = tpu.vector_load %arg11[%get3A_81] {strides = array<i32>} : memref<4096xi32, #tpu.memory_space<vmem>>, vector<16xi32>,
      %gather3A_83 = tpu.vector_load_idx %arg13[%get3A_82] : memref<100000xf32, #tpu.memory_space<vmem>>[vector<16xi32>], vector<16xf32>,
      %swap3A_84 = arith.index_cast %mul3A_80 : i32 to index
      %swap3A_85 = tpu.vector_load %arg14[%swap3A_84] {strides = array<i32>} : memref<4096xf32, #tpu.memory_space<vmem>>, vector<16xf32>,
      tpu.vector_store %arg14[%swap3A_84], %gather3A_83 {strides = array<i32>} : memref<4096xf32, #tpu.memory_space<vmem>>, vector<16xf32>,
      %scan3A_86 = arith.constant 0 : i32
      scf.yield %scan3A_86 : i32
    }
    %scan3A_9 = arith.constant 64 : i32
    "tpu.region"() ({
      %run_scoped3A = tpu.sem_alloc : memref<!tpu.dma_semaphore, #tpu.memory_space<semaphore_mem>>
      %dma_start3A = arith.constant 0 : i32
      %dma_start3A_42 = tpu.memref_slice %arg3[%add3A_3, %dma_start3A] : memref<64x100000xf32, #tpu.memory_space<hbm>> -> memref<1x100000xf32, #tpu.memory_space<hbm>>
      %dma_start3A_43 = tpu.memref_squeeze %dma_start3A_42 : memref<1x100000xf32, #tpu.memory_space<hbm>> -> memref<100000xf32, #tpu.memory_space<hbm>>
      %dma_start3A_44 = arith.constant 0 : i32
      %dma_start3A_45 = tpu.memref_slice %arg3[%add3A_3, %dma_start3A_44] : memref<64x100000xf32, #tpu.memory_space<hbm>> -> memref<1x100000xf32, #tpu.memory_space<hbm>>
      %dma_start3A_46 = tpu.memref_squeeze %dma_start3A_45 : memref<1x100000xf32, #tpu.memory_space<hbm>> -> memref<100000xf32, #tpu.memory_space<hbm>>
      tpu.enqueue_dma source(%dma_start3A_46 : memref<100000xf32, #tpu.memory_space<hbm>>) target(%arg13 : memref<100000xf32, #tpu.memory_space<vmem>>) target_semaphore(%run_scoped3A : memref<!tpu.dma_semaphore, #tpu.memory_space<semaphore_mem>>)
      %dma_wait3A = arith.constant 0 : i32
      %dma_wait3A_47 = tpu.memref_slice %arg3[%add3A_3, %dma_wait3A] : memref<64x100000xf32, #tpu.memory_space<hbm>> -> memref<1x100000xf32, #tpu.memory_space<hbm>>
      %dma_wait3A_48 = tpu.memref_squeeze %dma_wait3A_47 : memref<1x100000xf32, #tpu.memory_space<hbm>> -> memref<100000xf32, #tpu.memory_space<hbm>>
      %dma_wait3A_49 = arith.constant 0 : i32
      %dma_wait3A_50 = tpu.memref_slice %arg3[%add3A_3, %dma_wait3A_49] : memref<64x100000xf32, #tpu.memory_space<hbm>> -> memref<1x100000xf32, #tpu.memory_space<hbm>>
      %dma_wait3A_51 = tpu.memref_squeeze %dma_wait3A_50 : memref<1x100000xf32, #tpu.memory_space<hbm>> -> memref<100000xf32, #tpu.memory_space<hbm>>
      tpu.wait_dma2 semaphore(%run_scoped3A : memref<!tpu.dma_semaphore, #tpu.memory_space<semaphore_mem>>) src(%dma_wait3A_51 : memref<100000xf32, #tpu.memory_space<hbm>>) dst(%arg13 : memref<100000xf32, #tpu.memory_space<vmem>>)
      tpu.yield
    }) : () -> ()
    %scan3A_10 = arith.constant 0 : i32
    %scan3A_11 = arith.constant 64 : i32
    %scan3A_12 = arith.addi %scan3A_10, %scan3A_11 : i32
    %scan3A_13 = arith.constant 1 : i32
    %scan3A_14:4 = scf.for %scan3A_42 = %scan3A_10 to %scan3A_12 step %scan3A_13 iter_args(%scan3A_43 = %broadcast_in_dim3A_1, %scan3A_44 = %broadcast_in_dim3A_1, %scan3A_45 = %broadcast_in_dim3A_1, %scan3A_46 = %broadcast_in_dim3A_1) -> (vector<16xf32>, vector<16xf32>, vector<16xf32>, vector<16xf32>)  : i32 {
      %mul3A_47 = arith.constant 4 : i32
      %mul3A_48 = arith.muli %scan3A_42, %mul3A_47 : i32
      %add3A_49 = arith.constant 0 : i32
      %add3A_50 = arith.addi %mul3A_48, %add3A_49 : i32
      %mul3A_51 = arith.constant 16 : i32
      %mul3A_52 = arith.muli %add3A_50, %mul3A_51 : i32
      %get3A = arith.index_cast %mul3A_52 : i32 to index
      %get3A_53 = tpu.vector_load %arg12[%get3A] {strides = array<i32>} : memref<4096xi32, #tpu.memory_space<vmem>>, vector<16xi32>,
      %gather3A = tpu.vector_load_idx %arg13[%get3A_53] : memref<100000xf32, #tpu.memory_space<vmem>>[vector<16xi32>], vector<16xf32>,
      %get3A_54 = arith.index_cast %mul3A_52 : i32 to index
      %get3A_55 = tpu.vector_load %arg14[%get3A_54] {strides = array<i32>} : memref<4096xf32, #tpu.memory_space<vmem>>, vector<16xf32>,
      %mul3A_56 = arith.mulf %gather3A, %get3A_55 : vector<16xf32>
      %add3A_57 = arith.addf %scan3A_43, %mul3A_56 : vector<16xf32>
      %mul3A_58 = arith.constant 4 : i32
      %mul3A_59 = arith.muli %scan3A_42, %mul3A_58 : i32
      %add3A_60 = arith.constant 1 : i32
      %add3A_61 = arith.addi %mul3A_59, %add3A_60 : i32
      %mul3A_62 = arith.constant 16 : i32
      %mul3A_63 = arith.muli %add3A_61, %mul3A_62 : i32
      %get3A_64 = arith.index_cast %mul3A_63 : i32 to index
      %get3A_65 = tpu.vector_load %arg12[%get3A_64] {strides = array<i32>} : memref<4096xi32, #tpu.memory_space<vmem>>, vector<16xi32>,
      %gather3A_66 = tpu.vector_load_idx %arg13[%get3A_65] : memref<100000xf32, #tpu.memory_space<vmem>>[vector<16xi32>], vector<16xf32>,
      %get3A_67 = arith.index_cast %mul3A_63 : i32 to index
      %get3A_68 = tpu.vector_load %arg14[%get3A_67] {strides = array<i32>} : memref<4096xf32, #tpu.memory_space<vmem>>, vector<16xf32>,
      %mul3A_69 = arith.mulf %gather3A_66, %get3A_68 : vector<16xf32>
      %add3A_70 = arith.addf %scan3A_44, %mul3A_69 : vector<16xf32>
      %mul3A_71 = arith.constant 4 : i32
      %mul3A_72 = arith.muli %scan3A_42, %mul3A_71 : i32
      %add3A_73 = arith.constant 2 : i32
      %add3A_74 = arith.addi %mul3A_72, %add3A_73 : i32
      %mul3A_75 = arith.constant 16 : i32
      %mul3A_76 = arith.muli %add3A_74, %mul3A_75 : i32
      %get3A_77 = arith.index_cast %mul3A_76 : i32 to index
      %get3A_78 = tpu.vector_load %arg12[%get3A_77] {strides = array<i32>} : memref<4096xi32, #tpu.memory_space<vmem>>, vector<16xi32>,
      %gather3A_79 = tpu.vector_load_idx %arg13[%get3A_78] : memref<100000xf32, #tpu.memory_space<vmem>>[vector<16xi32>], vector<16xf32>,
      %get3A_80 = arith.index_cast %mul3A_76 : i32 to index
      %get3A_81 = tpu.vector_load %arg14[%get3A_80] {strides = array<i32>} : memref<4096xf32, #tpu.memory_space<vmem>>, vector<16xf32>,
      %mul3A_82 = arith.mulf %gather3A_79, %get3A_81 : vector<16xf32>
      %add3A_83 = arith.addf %scan3A_45, %mul3A_82 : vector<16xf32>
      %mul3A_84 = arith.constant 4 : i32
      %mul3A_85 = arith.muli %scan3A_42, %mul3A_84 : i32
      %add3A_86 = arith.constant 3 : i32
      %add3A_87 = arith.addi %mul3A_85, %add3A_86 : i32
      %mul3A_88 = arith.constant 16 : i32
      %mul3A_89 = arith.muli %add3A_87, %mul3A_88 : i32
      %get3A_90 = arith.index_cast %mul3A_89 : i32 to index
      %get3A_91 = tpu.vector_load %arg12[%get3A_90] {strides = array<i32>} : memref<4096xi32, #tpu.memory_space<vmem>>, vector<16xi32>,
      %gather3A_92 = tpu.vector_load_idx %arg13[%get3A_91] : memref<100000xf32, #tpu.memory_space<vmem>>[vector<16xi32>], vector<16xf32>,
      %get3A_93 = arith.index_cast %mul3A_89 : i32 to index
      %get3A_94 = tpu.vector_load %arg14[%get3A_93] {strides = array<i32>} : memref<4096xf32, #tpu.memory_space<vmem>>, vector<16xf32>,
      %mul3A_95 = arith.mulf %gather3A_92, %get3A_94 : vector<16xf32>
      %add3A_96 = arith.addf %scan3A_46, %mul3A_95 : vector<16xf32>
      scf.yield %add3A_57, %add3A_70, %add3A_83, %add3A_96 : vector<16xf32>, vector<16xf32>, vector<16xf32>, vector<16xf32>
    }
    %scan3A_15 = arith.constant 64 : i32
    %add3A_16 = arith.constant 32 : i32
    %add3A_17 = arith.addi %add3A, %add3A_16 : i32
    "tpu.region"() ({
      %run_scoped3A = tpu.sem_alloc : memref<!tpu.dma_semaphore, #tpu.memory_space<semaphore_mem>>
      %dma_start3A = arith.constant 0 : i32
      %dma_start3A_42 = tpu.memref_slice %arg2[%add3A_17, %dma_start3A] : memref<64x100000xf32, #tpu.memory_space<hbm>> -> memref<1x100000xf32, #tpu.memory_space<hbm>>
      %dma_start3A_43 = tpu.memref_squeeze %dma_start3A_42 : memref<1x100000xf32, #tpu.memory_space<hbm>> -> memref<100000xf32, #tpu.memory_space<hbm>>
      %dma_start3A_44 = arith.constant 0 : i32
      %dma_start3A_45 = tpu.memref_slice %arg2[%add3A_17, %dma_start3A_44] : memref<64x100000xf32, #tpu.memory_space<hbm>> -> memref<1x100000xf32, #tpu.memory_space<hbm>>
      %dma_start3A_46 = tpu.memref_squeeze %dma_start3A_45 : memref<1x100000xf32, #tpu.memory_space<hbm>> -> memref<100000xf32, #tpu.memory_space<hbm>>
      tpu.enqueue_dma source(%dma_start3A_46 : memref<100000xf32, #tpu.memory_space<hbm>>) target(%arg13 : memref<100000xf32, #tpu.memory_space<vmem>>) target_semaphore(%run_scoped3A : memref<!tpu.dma_semaphore, #tpu.memory_space<semaphore_mem>>)
      %dma_wait3A = arith.constant 0 : i32
      %dma_wait3A_47 = tpu.memref_slice %arg2[%add3A_17, %dma_wait3A] : memref<64x100000xf32, #tpu.memory_space<hbm>> -> memref<1x100000xf32, #tpu.memory_space<hbm>>
      %dma_wait3A_48 = tpu.memref_squeeze %dma_wait3A_47 : memref<1x100000xf32, #tpu.memory_space<hbm>> -> memref<100000xf32, #tpu.memory_space<hbm>>
      %dma_wait3A_49 = arith.constant 0 : i32
      %dma_wait3A_50 = tpu.memref_slice %arg2[%add3A_17, %dma_wait3A_49] : memref<64x100000xf32, #tpu.memory_space<hbm>> -> memref<1x100000xf32, #tpu.memory_space<hbm>>
      %dma_wait3A_51 = tpu.memref_squeeze %dma_wait3A_50 : memref<1x100000xf32, #tpu.memory_space<hbm>> -> memref<100000xf32, #tpu.memory_space<hbm>>
      tpu.wait_dma2 semaphore(%run_scoped3A : memref<!tpu.dma_semaphore, #tpu.memory_space<semaphore_mem>>) src(%dma_wait3A_51 : memref<100000xf32, #tpu.memory_space<hbm>>) dst(%arg13 : memref<100000xf32, #tpu.memory_space<vmem>>)
      tpu.yield
    }) : () -> ()
    %scan3A_18 = arith.constant 0 : i32
    %scan3A_19 = arith.constant 0 : i32
    %scan3A_20 = arith.constant 64 : i32
    %scan3A_21 = arith.addi %scan3A_19, %scan3A_20 : i32
    %scan3A_22 = arith.constant 1 : i32
    %scan3A_23 = scf.for %scan3A_42 = %scan3A_19 to %scan3A_21 step %scan3A_22 iter_args(%scan3A_43 = %scan3A_18) -> (i32)  : i32 {
      %mul3A_44 = arith.constant 4 : i32
      %mul3A_45 = arith.muli %scan3A_42, %mul3A_44 : i32
      %add3A_46 = arith.constant 0 : i32
      %add3A_47 = arith.addi %mul3A_45, %add3A_46 : i32
      %mul3A_48 = arith.constant 16 : i32
      %mul3A_49 = arith.muli %add3A_47, %mul3A_48 : i32
      %get3A = arith.index_cast %mul3A_49 : i32 to index
      %get3A_50 = tpu.vector_load %arg11[%get3A] {strides = array<i32>} : memref<4096xi32, #tpu.memory_space<vmem>>, vector<16xi32>,
      %gather3A = tpu.vector_load_idx %arg13[%get3A_50] : memref<100000xf32, #tpu.memory_space<vmem>>[vector<16xi32>], vector<16xf32>,
      %swap3A_51 = arith.index_cast %mul3A_49 : i32 to index
      %swap3A_52 = tpu.vector_load %arg14[%swap3A_51] {strides = array<i32>} : memref<4096xf32, #tpu.memory_space<vmem>>, vector<16xf32>,
      tpu.vector_store %arg14[%swap3A_51], %gather3A {strides = array<i32>} : memref<4096xf32, #tpu.memory_space<vmem>>, vector<16xf32>,
      %mul3A_53 = arith.constant 4 : i32
      %mul3A_54 = arith.muli %scan3A_42, %mul3A_53 : i32
      %add3A_55 = arith.constant 1 : i32
      %add3A_56 = arith.addi %mul3A_54, %add3A_55 : i32
      %mul3A_57 = arith.constant 16 : i32
      %mul3A_58 = arith.muli %add3A_56, %mul3A_57 : i32
      %get3A_59 = arith.index_cast %mul3A_58 : i32 to index
      %get3A_60 = tpu.vector_load %arg11[%get3A_59] {strides = array<i32>} : memref<4096xi32, #tpu.memory_space<vmem>>, vector<16xi32>,
      %gather3A_61 = tpu.vector_load_idx %arg13[%get3A_60] : memref<100000xf32, #tpu.memory_space<vmem>>[vector<16xi32>], vector<16xf32>,
      %swap3A_62 = arith.index_cast %mul3A_58 : i32 to index
      %swap3A_63 = tpu.vector_load %arg14[%swap3A_62] {strides = array<i32>} : memref<4096xf32, #tpu.memory_space<vmem>>, vector<16xf32>,
      tpu.vector_store %arg14[%swap3A_62], %gather3A_61 {strides = array<i32>} : memref<4096xf32, #tpu.memory_space<vmem>>, vector<16xf32>,
      %mul3A_64 = arith.constant 4 : i32
      %mul3A_65 = arith.muli %scan3A_42, %mul3A_64 : i32
      %add3A_66 = arith.constant 2 : i32
      %add3A_67 = arith.addi %mul3A_65, %add3A_66 : i32
      %mul3A_68 = arith.constant 16 : i32
      %mul3A_69 = arith.muli %add3A_67, %mul3A_68 : i32
      %get3A_70 = arith.index_cast %mul3A_69 : i32 to index
      %get3A_71 = tpu.vector_load %arg11[%get3A_70] {strides = array<i32>} : memref<4096xi32, #tpu.memory_space<vmem>>, vector<16xi32>,
      %gather3A_72 = tpu.vector_load_idx %arg13[%get3A_71] : memref<100000xf32, #tpu.memory_space<vmem>>[vector<16xi32>], vector<16xf32>,
      %swap3A_73 = arith.index_cast %mul3A_69 : i32 to index
      %swap3A_74 = tpu.vector_load %arg14[%swap3A_73] {strides = array<i32>} : memref<4096xf32, #tpu.memory_space<vmem>>, vector<16xf32>,
      tpu.vector_store %arg14[%swap3A_73], %gather3A_72 {strides = array<i32>} : memref<4096xf32, #tpu.memory_space<vmem>>, vector<16xf32>,
      %mul3A_75 = arith.constant 4 : i32
      %mul3A_76 = arith.muli %scan3A_42, %mul3A_75 : i32
      %add3A_77 = arith.constant 3 : i32
      %add3A_78 = arith.addi %mul3A_76, %add3A_77 : i32
      %mul3A_79 = arith.constant 16 : i32
      %mul3A_80 = arith.muli %add3A_78, %mul3A_79 : i32
      %get3A_81 = arith.index_cast %mul3A_80 : i32 to index
      %get3A_82 = tpu.vector_load %arg11[%get3A_81] {strides = array<i32>} : memref<4096xi32, #tpu.memory_space<vmem>>, vector<16xi32>,
      %gather3A_83 = tpu.vector_load_idx %arg13[%get3A_82] : memref<100000xf32, #tpu.memory_space<vmem>>[vector<16xi32>], vector<16xf32>,
      %swap3A_84 = arith.index_cast %mul3A_80 : i32 to index
      %swap3A_85 = tpu.vector_load %arg14[%swap3A_84] {strides = array<i32>} : memref<4096xf32, #tpu.memory_space<vmem>>, vector<16xf32>,
      tpu.vector_store %arg14[%swap3A_84], %gather3A_83 {strides = array<i32>} : memref<4096xf32, #tpu.memory_space<vmem>>, vector<16xf32>,
      %scan3A_86 = arith.constant 0 : i32
      scf.yield %scan3A_86 : i32
    }
    %scan3A_24 = arith.constant 64 : i32
    "tpu.region"() ({
      %run_scoped3A = tpu.sem_alloc : memref<!tpu.dma_semaphore, #tpu.memory_space<semaphore_mem>>
      %dma_start3A = arith.constant 0 : i32
      %dma_start3A_42 = tpu.memref_slice %arg3[%add3A_17, %dma_start3A] : memref<64x100000xf32, #tpu.memory_space<hbm>> -> memref<1x100000xf32, #tpu.memory_space<hbm>>
      %dma_start3A_43 = tpu.memref_squeeze %dma_start3A_42 : memref<1x100000xf32, #tpu.memory_space<hbm>> -> memref<100000xf32, #tpu.memory_space<hbm>>
      %dma_start3A_44 = arith.constant 0 : i32
      %dma_start3A_45 = tpu.memref_slice %arg3[%add3A_17, %dma_start3A_44] : memref<64x100000xf32, #tpu.memory_space<hbm>> -> memref<1x100000xf32, #tpu.memory_space<hbm>>
      %dma_start3A_46 = tpu.memref_squeeze %dma_start3A_45 : memref<1x100000xf32, #tpu.memory_space<hbm>> -> memref<100000xf32, #tpu.memory_space<hbm>>
      tpu.enqueue_dma source(%dma_start3A_46 : memref<100000xf32, #tpu.memory_space<hbm>>) target(%arg13 : memref<100000xf32, #tpu.memory_space<vmem>>) target_semaphore(%run_scoped3A : memref<!tpu.dma_semaphore, #tpu.memory_space<semaphore_mem>>)
      %dma_wait3A = arith.constant 0 : i32
      %dma_wait3A_47 = tpu.memref_slice %arg3[%add3A_17, %dma_wait3A] : memref<64x100000xf32, #tpu.memory_space<hbm>> -> memref<1x100000xf32, #tpu.memory_space<hbm>>
      %dma_wait3A_48 = tpu.memref_squeeze %dma_wait3A_47 : memref<1x100000xf32, #tpu.memory_space<hbm>> -> memref<100000xf32, #tpu.memory_space<hbm>>
      %dma_wait3A_49 = arith.constant 0 : i32
      %dma_wait3A_50 = tpu.memref_slice %arg3[%add3A_17, %dma_wait3A_49] : memref<64x100000xf32, #tpu.memory_space<hbm>> -> memref<1x100000xf32, #tpu.memory_space<hbm>>
      %dma_wait3A_51 = tpu.memref_squeeze %dma_wait3A_50 : memref<1x100000xf32, #tpu.memory_space<hbm>> -> memref<100000xf32, #tpu.memory_space<hbm>>
      tpu.wait_dma2 semaphore(%run_scoped3A : memref<!tpu.dma_semaphore, #tpu.memory_space<semaphore_mem>>) src(%dma_wait3A_51 : memref<100000xf32, #tpu.memory_space<hbm>>) dst(%arg13 : memref<100000xf32, #tpu.memory_space<vmem>>)
      tpu.yield
    }) : () -> ()
    %scan3A_25 = arith.constant 0 : i32
    %scan3A_26 = arith.constant 64 : i32
    %scan3A_27 = arith.addi %scan3A_25, %scan3A_26 : i32
    %scan3A_28 = arith.constant 1 : i32
    %scan3A_29:4 = scf.for %scan3A_42 = %scan3A_25 to %scan3A_27 step %scan3A_28 iter_args(%scan3A_43 = %scan3A_14#0, %scan3A_44 = %scan3A_14#1, %scan3A_45 = %scan3A_14#2, %scan3A_46 = %scan3A_14#3) -> (vector<16xf32>, vector<16xf32>, vector<16xf32>, vector<16xf32>)  : i32 {
      %mul3A_47 = arith.constant 4 : i32
      %mul3A_48 = arith.muli %scan3A_42, %mul3A_47 : i32
      %add3A_49 = arith.constant 0 : i32
      %add3A_50 = arith.addi %mul3A_48, %add3A_49 : i32
      %mul3A_51 = arith.constant 16 : i32
      %mul3A_52 = arith.muli %add3A_50, %mul3A_51 : i32
      %get3A = arith.index_cast %mul3A_52 : i32 to index
      %get3A_53 = tpu.vector_load %arg12[%get3A] {strides = array<i32>} : memref<4096xi32, #tpu.memory_space<vmem>>, vector<16xi32>,
      %gather3A = tpu.vector_load_idx %arg13[%get3A_53] : memref<100000xf32, #tpu.memory_space<vmem>>[vector<16xi32>], vector<16xf32>,
      %get3A_54 = arith.index_cast %mul3A_52 : i32 to index
      %get3A_55 = tpu.vector_load %arg14[%get3A_54] {strides = array<i32>} : memref<4096xf32, #tpu.memory_space<vmem>>, vector<16xf32>,
      %mul3A_56 = arith.mulf %gather3A, %get3A_55 : vector<16xf32>
      %add3A_57 = arith.addf %scan3A_43, %mul3A_56 : vector<16xf32>
      %mul3A_58 = arith.constant 4 : i32
      %mul3A_59 = arith.muli %scan3A_42, %mul3A_58 : i32
      %add3A_60 = arith.constant 1 : i32
      %add3A_61 = arith.addi %mul3A_59, %add3A_60 : i32
      %mul3A_62 = arith.constant 16 : i32
      %mul3A_63 = arith.muli %add3A_61, %mul3A_62 : i32
      %get3A_64 = arith.index_cast %mul3A_63 : i32 to index
      %get3A_65 = tpu.vector_load %arg12[%get3A_64] {strides = array<i32>} : memref<4096xi32, #tpu.memory_space<vmem>>, vector<16xi32>,
      %gather3A_66 = tpu.vector_load_idx %arg13[%get3A_65] : memref<100000xf32, #tpu.memory_space<vmem>>[vector<16xi32>], vector<16xf32>,
      %get3A_67 = arith.index_cast %mul3A_63 : i32 to index
      %get3A_68 = tpu.vector_load %arg14[%get3A_67] {strides = array<i32>} : memref<4096xf32, #tpu.memory_space<vmem>>, vector<16xf32>,
      %mul3A_69 = arith.mulf %gather3A_66, %get3A_68 : vector<16xf32>
      %add3A_70 = arith.addf %scan3A_44, %mul3A_69 : vector<16xf32>
      %mul3A_71 = arith.constant 4 : i32
      %mul3A_72 = arith.muli %scan3A_42, %mul3A_71 : i32
      %add3A_73 = arith.constant 2 : i32
      %add3A_74 = arith.addi %mul3A_72, %add3A_73 : i32
      %mul3A_75 = arith.constant 16 : i32
      %mul3A_76 = arith.muli %add3A_74, %mul3A_75 : i32
      %get3A_77 = arith.index_cast %mul3A_76 : i32 to index
      %get3A_78 = tpu.vector_load %arg12[%get3A_77] {strides = array<i32>} : memref<4096xi32, #tpu.memory_space<vmem>>, vector<16xi32>,
      %gather3A_79 = tpu.vector_load_idx %arg13[%get3A_78] : memref<100000xf32, #tpu.memory_space<vmem>>[vector<16xi32>], vector<16xf32>,
      %get3A_80 = arith.index_cast %mul3A_76 : i32 to index
      %get3A_81 = tpu.vector_load %arg14[%get3A_80] {strides = array<i32>} : memref<4096xf32, #tpu.memory_space<vmem>>, vector<16xf32>,
      %mul3A_82 = arith.mulf %gather3A_79, %get3A_81 : vector<16xf32>
      %add3A_83 = arith.addf %scan3A_45, %mul3A_82 : vector<16xf32>
      %mul3A_84 = arith.constant 4 : i32
      %mul3A_85 = arith.muli %scan3A_42, %mul3A_84 : i32
      %add3A_86 = arith.constant 3 : i32
      %add3A_87 = arith.addi %mul3A_85, %add3A_86 : i32
      %mul3A_88 = arith.constant 16 : i32
      %mul3A_89 = arith.muli %add3A_87, %mul3A_88 : i32
      %get3A_90 = arith.index_cast %mul3A_89 : i32 to index
      %get3A_91 = tpu.vector_load %arg12[%get3A_90] {strides = array<i32>} : memref<4096xi32, #tpu.memory_space<vmem>>, vector<16xi32>,
      %gather3A_92 = tpu.vector_load_idx %arg13[%get3A_91] : memref<100000xf32, #tpu.memory_space<vmem>>[vector<16xi32>], vector<16xf32>,
      %get3A_93 = arith.index_cast %mul3A_89 : i32 to index
      %get3A_94 = tpu.vector_load %arg14[%get3A_93] {strides = array<i32>} : memref<4096xf32, #tpu.memory_space<vmem>>, vector<16xf32>,
      %mul3A_95 = arith.mulf %gather3A_92, %get3A_94 : vector<16xf32>
      %add3A_96 = arith.addf %scan3A_46, %mul3A_95 : vector<16xf32>
      scf.yield %add3A_57, %add3A_70, %add3A_83, %add3A_96 : vector<16xf32>, vector<16xf32>, vector<16xf32>, vector<16xf32>
    }
    %scan3A_30 = arith.constant 64 : i32
    %add3A_31 = arith.addf %scan3A_29#0, %scan3A_29#1 : vector<16xf32>
    %add3A_32 = arith.addf %scan3A_29#2, %scan3A_29#3 : vector<16xf32>
    %add3A_33 = arith.addf %add3A_31, %add3A_32 : vector<16xf32>
    %swap3A = arith.constant 0 : index
    %swap3A_34 = tpu.vector_load %arg15[%swap3A] {strides = array<i32>} : memref<16xf32, #tpu.memory_space<vmem>>, vector<16xf32>,
    tpu.vector_store %arg15[%swap3A], %add3A_33 {strides = array<i32>} : memref<16xf32, #tpu.memory_space<vmem>>, vector<16xf32>,
    "tpu.region"() ({
      %run_scoped3A = tpu.sem_alloc : memref<!tpu.dma_semaphore, #tpu.memory_space<semaphore_mem>>
      %dma_start3A = arith.constant 0 : i32
      %dma_start3A_42 = tpu.memref_slice %arg8[%add3A, %dma_start3A] : memref<32x16xf32, #tpu.memory_space<hbm>> -> memref<1x16xf32, #tpu.memory_space<hbm>>
      %dma_start3A_43 = tpu.memref_squeeze %dma_start3A_42 : memref<1x16xf32, #tpu.memory_space<hbm>> -> memref<16xf32, #tpu.memory_space<hbm>>
      %dma_start3A_44 = arith.constant 0 : i32
      %dma_start3A_45 = tpu.memref_slice %arg8[%add3A, %dma_start3A_44] : memref<32x16xf32, #tpu.memory_space<hbm>> -> memref<1x16xf32, #tpu.memory_space<hbm>>
      %dma_start3A_46 = tpu.memref_squeeze %dma_start3A_45 : memref<1x16xf32, #tpu.memory_space<hbm>> -> memref<16xf32, #tpu.memory_space<hbm>>
      tpu.enqueue_dma source(%arg15 : memref<16xf32, #tpu.memory_space<vmem>>) target(%dma_start3A_46 : memref<16xf32, #tpu.memory_space<hbm>>) target_semaphore(%run_scoped3A : memref<!tpu.dma_semaphore, #tpu.memory_space<semaphore_mem>>)
      %dma_wait3A = arith.constant 0 : i32
      %dma_wait3A_47 = tpu.memref_slice %arg8[%add3A, %dma_wait3A] : memref<32x16xf32, #tpu.memory_space<hbm>> -> memref<1x16xf32, #tpu.memory_space<hbm>>
      %dma_wait3A_48 = tpu.memref_squeeze %dma_wait3A_47 : memref<1x16xf32, #tpu.memory_space<hbm>> -> memref<16xf32, #tpu.memory_space<hbm>>
      %dma_wait3A_49 = arith.constant 0 : i32
      %dma_wait3A_50 = tpu.memref_slice %arg8[%add3A, %dma_wait3A_49] : memref<32x16xf32, #tpu.memory_space<hbm>> -> memref<1x16xf32, #tpu.memory_space<hbm>>
      %dma_wait3A_51 = tpu.memref_squeeze %dma_wait3A_50 : memref<1x16xf32, #tpu.memory_space<hbm>> -> memref<16xf32, #tpu.memory_space<hbm>>
      tpu.wait_dma2 semaphore(%run_scoped3A : memref<!tpu.dma_semaphore, #tpu.memory_space<semaphore_mem>>) src(%arg15 : memref<16xf32, #tpu.memory_space<vmem>>) dst(%dma_wait3A_51 : memref<16xf32, #tpu.memory_space<hbm>>)
      tpu.yield
    }) : () -> ()
    %eq3A = arith.constant 0 : i32
    %eq3A_35 = arith.cmpi eq, %add3A, %eq3A : i32
    %convert_element_type3A = arith.extui %eq3A_35 : i1 to i32
    %cond3A = arith.constant 0 : i32
    %cond3A_36 = arith.cmpi ne, %convert_element_type3A, %cond3A : i32
    scf.if %cond3A_36 {
      "tpu.region"() ({
        %run_scoped3A = tpu.sem_alloc : memref<!tpu.dma_semaphore, #tpu.memory_space<semaphore_mem>>
        tpu.enqueue_dma source(%arg4 : memref<100000xf32, #tpu.memory_space<hbm>>) target(%arg13 : memref<100000xf32, #tpu.memory_space<vmem>>) target_semaphore(%run_scoped3A : memref<!tpu.dma_semaphore, #tpu.memory_space<semaphore_mem>>)
        tpu.wait_dma2 semaphore(%run_scoped3A : memref<!tpu.dma_semaphore, #tpu.memory_space<semaphore_mem>>) src(%arg4 : memref<100000xf32, #tpu.memory_space<hbm>>) dst(%arg13 : memref<100000xf32, #tpu.memory_space<vmem>>)
        tpu.yield
      }) : () -> ()
      %scan3A_42 = arith.constant 0 : i32
      %scan3A_43 = arith.constant 0 : i32
      %scan3A_44 = arith.constant 64 : i32
      %scan3A_45 = arith.addi %scan3A_43, %scan3A_44 : i32
      %scan3A_46 = arith.constant 1 : i32
      %scan3A_47 = scf.for %scan3A_49 = %scan3A_43 to %scan3A_45 step %scan3A_46 iter_args(%scan3A_50 = %scan3A_42) -> (i32)  : i32 {
        %mul3A_51 = arith.constant 4 : i32
        %mul3A_52 = arith.muli %scan3A_49, %mul3A_51 : i32
        %add3A_53 = arith.constant 0 : i32
        %add3A_54 = arith.addi %mul3A_52, %add3A_53 : i32
        %mul3A_55 = arith.constant 16 : i32
        %mul3A_56 = arith.muli %add3A_54, %mul3A_55 : i32
        %get3A = arith.index_cast %mul3A_56 : i32 to index
        %get3A_57 = tpu.vector_load %arg11[%get3A] {strides = array<i32>} : memref<4096xi32, #tpu.memory_space<vmem>>, vector<16xi32>,
        %gather3A = tpu.vector_load_idx %arg13[%get3A_57] : memref<100000xf32, #tpu.memory_space<vmem>>[vector<16xi32>], vector<16xf32>,
        %swap3A_58 = arith.index_cast %mul3A_56 : i32 to index
        %swap3A_59 = tpu.vector_load %arg14[%swap3A_58] {strides = array<i32>} : memref<4096xf32, #tpu.memory_space<vmem>>, vector<16xf32>,
        tpu.vector_store %arg14[%swap3A_58], %gather3A {strides = array<i32>} : memref<4096xf32, #tpu.memory_space<vmem>>, vector<16xf32>,
        %mul3A_60 = arith.constant 4 : i32
        %mul3A_61 = arith.muli %scan3A_49, %mul3A_60 : i32
        %add3A_62 = arith.constant 1 : i32
        %add3A_63 = arith.addi %mul3A_61, %add3A_62 : i32
        %mul3A_64 = arith.constant 16 : i32
        %mul3A_65 = arith.muli %add3A_63, %mul3A_64 : i32
        %get3A_66 = arith.index_cast %mul3A_65 : i32 to index
        %get3A_67 = tpu.vector_load %arg11[%get3A_66] {strides = array<i32>} : memref<4096xi32, #tpu.memory_space<vmem>>, vector<16xi32>,
        %gather3A_68 = tpu.vector_load_idx %arg13[%get3A_67] : memref<100000xf32, #tpu.memory_space<vmem>>[vector<16xi32>], vector<16xf32>,
        %swap3A_69 = arith.index_cast %mul3A_65 : i32 to index
        %swap3A_70 = tpu.vector_load %arg14[%swap3A_69] {strides = array<i32>} : memref<4096xf32, #tpu.memory_space<vmem>>, vector<16xf32>,
        tpu.vector_store %arg14[%swap3A_69], %gather3A_68 {strides = array<i32>} : memref<4096xf32, #tpu.memory_space<vmem>>, vector<16xf32>,
        %mul3A_71 = arith.constant 4 : i32
        %mul3A_72 = arith.muli %scan3A_49, %mul3A_71 : i32
        %add3A_73 = arith.constant 2 : i32
        %add3A_74 = arith.addi %mul3A_72, %add3A_73 : i32
        %mul3A_75 = arith.constant 16 : i32
        %mul3A_76 = arith.muli %add3A_74, %mul3A_75 : i32
        %get3A_77 = arith.index_cast %mul3A_76 : i32 to index
        %get3A_78 = tpu.vector_load %arg11[%get3A_77] {strides = array<i32>} : memref<4096xi32, #tpu.memory_space<vmem>>, vector<16xi32>,
        %gather3A_79 = tpu.vector_load_idx %arg13[%get3A_78] : memref<100000xf32, #tpu.memory_space<vmem>>[vector<16xi32>], vector<16xf32>,
        %swap3A_80 = arith.index_cast %mul3A_76 : i32 to index
        %swap3A_81 = tpu.vector_load %arg14[%swap3A_80] {strides = array<i32>} : memref<4096xf32, #tpu.memory_space<vmem>>, vector<16xf32>,
        tpu.vector_store %arg14[%swap3A_80], %gather3A_79 {strides = array<i32>} : memref<4096xf32, #tpu.memory_space<vmem>>, vector<16xf32>,
        %mul3A_82 = arith.constant 4 : i32
        %mul3A_83 = arith.muli %scan3A_49, %mul3A_82 : i32
        %add3A_84 = arith.constant 3 : i32
        %add3A_85 = arith.addi %mul3A_83, %add3A_84 : i32
        %mul3A_86 = arith.constant 16 : i32
        %mul3A_87 = arith.muli %add3A_85, %mul3A_86 : i32
        %get3A_88 = arith.index_cast %mul3A_87 : i32 to index
        %get3A_89 = tpu.vector_load %arg11[%get3A_88] {strides = array<i32>} : memref<4096xi32, #tpu.memory_space<vmem>>, vector<16xi32>,
        %gather3A_90 = tpu.vector_load_idx %arg13[%get3A_89] : memref<100000xf32, #tpu.memory_space<vmem>>[vector<16xi32>], vector<16xf32>,
        %swap3A_91 = arith.index_cast %mul3A_87 : i32 to index
        %swap3A_92 = tpu.vector_load %arg14[%swap3A_91] {strides = array<i32>} : memref<4096xf32, #tpu.memory_space<vmem>>, vector<16xf32>,
        tpu.vector_store %arg14[%swap3A_91], %gather3A_90 {strides = array<i32>} : memref<4096xf32, #tpu.memory_space<vmem>>, vector<16xf32>,
        %scan3A_93 = arith.constant 0 : i32
        scf.yield %scan3A_93 : i32
      }
      %scan3A_48 = arith.constant 64 : i32
      "tpu.region"() ({
        %run_scoped3A = tpu.sem_alloc : memref<!tpu.dma_semaphore, #tpu.memory_space<semaphore_mem>>
        tpu.enqueue_dma source(%arg14 : memref<4096xf32, #tpu.memory_space<vmem>>) target(%arg9 : memref<4096xf32, #tpu.memory_space<hbm>>) target_semaphore(%run_scoped3A : memref<!tpu.dma_semaphore, #tpu.memory_space<semaphore_mem>>)
        tpu.wait_dma2 semaphore(%run_scoped3A : memref<!tpu.dma_semaphore, #tpu.memory_space<semaphore_mem>>) src(%arg14 : memref<4096xf32, #tpu.memory_space<vmem>>) dst(%arg9 : memref<4096xf32, #tpu.memory_space<hbm>>)
        tpu.yield
      }) : () -> ()
    } else {
    }
    %eq3A_37 = arith.constant 1 : i32
    %eq3A_38 = arith.cmpi eq, %add3A, %eq3A_37 : i32
    %convert_element_type3A_39 = arith.extui %eq3A_38 : i1 to i32
    %cond3A_40 = arith.constant 0 : i32
    %cond3A_41 = arith.cmpi ne, %convert_element_type3A_39, %cond3A_40 : i32
    scf.if %cond3A_41 {
      "tpu.region"() ({
        %run_scoped3A = tpu.sem_alloc : memref<!tpu.dma_semaphore, #tpu.memory_space<semaphore_mem>>
        tpu.enqueue_dma source(%arg5 : memref<100000xf32, #tpu.memory_space<hbm>>) target(%arg13 : memref<100000xf32, #tpu.memory_space<vmem>>) target_semaphore(%run_scoped3A : memref<!tpu.dma_semaphore, #tpu.memory_space<semaphore_mem>>)
        tpu.wait_dma2 semaphore(%run_scoped3A : memref<!tpu.dma_semaphore, #tpu.memory_space<semaphore_mem>>) src(%arg5 : memref<100000xf32, #tpu.memory_space<hbm>>) dst(%arg13 : memref<100000xf32, #tpu.memory_space<vmem>>)
        tpu.yield
      }) : () -> ()
      %scan3A_42 = arith.constant 0 : i32
      %scan3A_43 = arith.constant 0 : i32
      %scan3A_44 = arith.constant 64 : i32
      %scan3A_45 = arith.addi %scan3A_43, %scan3A_44 : i32
      %scan3A_46 = arith.constant 1 : i32
      %scan3A_47 = scf.for %scan3A_49 = %scan3A_43 to %scan3A_45 step %scan3A_46 iter_args(%scan3A_50 = %scan3A_42) -> (i32)  : i32 {
        %mul3A_51 = arith.constant 4 : i32
        %mul3A_52 = arith.muli %scan3A_49, %mul3A_51 : i32
        %add3A_53 = arith.constant 0 : i32
        %add3A_54 = arith.addi %mul3A_52, %add3A_53 : i32
        %mul3A_55 = arith.constant 16 : i32
        %mul3A_56 = arith.muli %add3A_54, %mul3A_55 : i32
        %get3A = arith.index_cast %mul3A_56 : i32 to index
        %get3A_57 = tpu.vector_load %arg12[%get3A] {strides = array<i32>} : memref<4096xi32, #tpu.memory_space<vmem>>, vector<16xi32>,
        %gather3A = tpu.vector_load_idx %arg13[%get3A_57] : memref<100000xf32, #tpu.memory_space<vmem>>[vector<16xi32>], vector<16xf32>,
        %swap3A_58 = arith.index_cast %mul3A_56 : i32 to index
        %swap3A_59 = tpu.vector_load %arg14[%swap3A_58] {strides = array<i32>} : memref<4096xf32, #tpu.memory_space<vmem>>, vector<16xf32>,
        tpu.vector_store %arg14[%swap3A_58], %gather3A {strides = array<i32>} : memref<4096xf32, #tpu.memory_space<vmem>>, vector<16xf32>,
        %mul3A_60 = arith.constant 4 : i32
        %mul3A_61 = arith.muli %scan3A_49, %mul3A_60 : i32
        %add3A_62 = arith.constant 1 : i32
        %add3A_63 = arith.addi %mul3A_61, %add3A_62 : i32
        %mul3A_64 = arith.constant 16 : i32
        %mul3A_65 = arith.muli %add3A_63, %mul3A_64 : i32
        %get3A_66 = arith.index_cast %mul3A_65 : i32 to index
        %get3A_67 = tpu.vector_load %arg12[%get3A_66] {strides = array<i32>} : memref<4096xi32, #tpu.memory_space<vmem>>, vector<16xi32>,
        %gather3A_68 = tpu.vector_load_idx %arg13[%get3A_67] : memref<100000xf32, #tpu.memory_space<vmem>>[vector<16xi32>], vector<16xf32>,
        %swap3A_69 = arith.index_cast %mul3A_65 : i32 to index
        %swap3A_70 = tpu.vector_load %arg14[%swap3A_69] {strides = array<i32>} : memref<4096xf32, #tpu.memory_space<vmem>>, vector<16xf32>,
        tpu.vector_store %arg14[%swap3A_69], %gather3A_68 {strides = array<i32>} : memref<4096xf32, #tpu.memory_space<vmem>>, vector<16xf32>,
        %mul3A_71 = arith.constant 4 : i32
        %mul3A_72 = arith.muli %scan3A_49, %mul3A_71 : i32
        %add3A_73 = arith.constant 2 : i32
        %add3A_74 = arith.addi %mul3A_72, %add3A_73 : i32
        %mul3A_75 = arith.constant 16 : i32
        %mul3A_76 = arith.muli %add3A_74, %mul3A_75 : i32
        %get3A_77 = arith.index_cast %mul3A_76 : i32 to index
        %get3A_78 = tpu.vector_load %arg12[%get3A_77] {strides = array<i32>} : memref<4096xi32, #tpu.memory_space<vmem>>, vector<16xi32>,
        %gather3A_79 = tpu.vector_load_idx %arg13[%get3A_78] : memref<100000xf32, #tpu.memory_space<vmem>>[vector<16xi32>], vector<16xf32>,
        %swap3A_80 = arith.index_cast %mul3A_76 : i32 to index
        %swap3A_81 = tpu.vector_load %arg14[%swap3A_80] {strides = array<i32>} : memref<4096xf32, #tpu.memory_space<vmem>>, vector<16xf32>,
        tpu.vector_store %arg14[%swap3A_80], %gather3A_79 {strides = array<i32>} : memref<4096xf32, #tpu.memory_space<vmem>>, vector<16xf32>,
        %mul3A_82 = arith.constant 4 : i32
        %mul3A_83 = arith.muli %scan3A_49, %mul3A_82 : i32
        %add3A_84 = arith.constant 3 : i32
        %add3A_85 = arith.addi %mul3A_83, %add3A_84 : i32
        %mul3A_86 = arith.constant 16 : i32
        %mul3A_87 = arith.muli %add3A_85, %mul3A_86 : i32
        %get3A_88 = arith.index_cast %mul3A_87 : i32 to index
        %get3A_89 = tpu.vector_load %arg12[%get3A_88] {strides = array<i32>} : memref<4096xi32, #tpu.memory_space<vmem>>, vector<16xi32>,
        %gather3A_90 = tpu.vector_load_idx %arg13[%get3A_89] : memref<100000xf32, #tpu.memory_space<vmem>>[vector<16xi32>], vector<16xf32>,
        %swap3A_91 = arith.index_cast %mul3A_87 : i32 to index
        %swap3A_92 = tpu.vector_load %arg14[%swap3A_91] {strides = array<i32>} : memref<4096xf32, #tpu.memory_space<vmem>>, vector<16xf32>,
        tpu.vector_store %arg14[%swap3A_91], %gather3A_90 {strides = array<i32>} : memref<4096xf32, #tpu.memory_space<vmem>>, vector<16xf32>,
        %scan3A_93 = arith.constant 0 : i32
        scf.yield %scan3A_93 : i32
      }
      %scan3A_48 = arith.constant 64 : i32
      "tpu.region"() ({
        %run_scoped3A = tpu.sem_alloc : memref<!tpu.dma_semaphore, #tpu.memory_space<semaphore_mem>>
        tpu.enqueue_dma source(%arg14 : memref<4096xf32, #tpu.memory_space<vmem>>) target(%arg10 : memref<4096xf32, #tpu.memory_space<hbm>>) target_semaphore(%run_scoped3A : memref<!tpu.dma_semaphore, #tpu.memory_space<semaphore_mem>>)
        tpu.wait_dma2 semaphore(%run_scoped3A : memref<!tpu.dma_semaphore, #tpu.memory_space<semaphore_mem>>) src(%arg14 : memref<4096xf32, #tpu.memory_space<vmem>>) dst(%arg10 : memref<4096xf32, #tpu.memory_space<hbm>>)
        tpu.yield
      }) : () -> ()
    } else {
    }
    return
  }
}

module attributes {stable_mosaic.version = 14 : i64} {
  func.func @body(%arg0: memref<32x16xf32, #tpu.memory_space<vmem>>, %arg1: memref<4096x1xf32, #tpu.memory_space<vmem>>, %arg2: memref<4096x1xf32, #tpu.memory_space<vmem>>, %arg3: memref<1x128xf32, #tpu.memory_space<vmem>>, %arg4: memref<1x128xf32, #tpu.memory_space<vmem>>, %arg5: memref<128x64xf32, #tpu.memory_space<vmem>>, %arg6: memref<1x64xf32, #tpu.memory_space<vmem>>, %arg7: memref<1x64xf32, #tpu.memory_space<vmem>>, %arg8: memref<1x1xf32, #tpu.memory_space<vmem>>, %arg9: memref<4096x1xf32, #tpu.memory_space<vmem>>) attributes {dimension_semantics = [], scalar_prefetch = 0 : i64, scratch_operands = 0 : i64, tpu.core_type = #tpu.core_type<tc>} {
    %get3A = arith.constant 0 : index
    %get3A_0 = arith.constant 0 : index
    %get3A_1 = vector.load %arg0[%get3A, %get3A_0] : memref<32x16xf32, #tpu.memory_space<vmem>>, vector<32x16xf32>
    %reduce_sum3A = vector.shape_cast %get3A_1 : vector<32x16xf32> to vector<1x32x16xf32>
    %reduce_sum3A_2 = arith.constant dense<0.000000e+00> : vector<1xf32>
    %reduce_sum3A_3 = vector.multi_reduction <add>, %reduce_sum3A, %reduce_sum3A_2 [1, 2] : vector<1x32x16xf32> to vector<1xf32>
    %reduce_sum3A_4 = vector.shape_cast %reduce_sum3A_3 : vector<1xf32> to vector<1x1x1xf32>
    %reduce_sum3A_5 = vector.extract %reduce_sum3A_4[0, 0, 0] : f32 from vector<1x1x1xf32>
    %get3A_6 = arith.constant 0 : index
    %get3A_7 = arith.constant 0 : index
    %get3A_8 = vector.load %arg1[%get3A_6, %get3A_7] : memref<4096x1xf32, #tpu.memory_space<vmem>>, vector<4096x1xf32>
    %add3A = vector.broadcast %reduce_sum3A_5 : f32 to vector<4096x1xf32>
    %add3A_9 = arith.addf %add3A, %get3A_8 : vector<4096x1xf32>
    %get3A_10 = arith.constant 0 : index
    %get3A_11 = arith.constant 0 : index
    %get3A_12 = vector.load %arg2[%get3A_10, %get3A_11] : memref<4096x1xf32, #tpu.memory_space<vmem>>, vector<4096x1xf32>
    %add3A_13 = arith.addf %add3A_9, %get3A_12 : vector<4096x1xf32>
    %get3A_14 = arith.constant 0 : index
    %get3A_15 = arith.constant 0 : index
    %get3A_16 = vector.load %arg3[%get3A_14, %get3A_15] : memref<1x128xf32, #tpu.memory_space<vmem>>, vector<1x128xf32>
    %mul3A = vector.broadcast %add3A_13 : vector<4096x1xf32> to vector<4096x128xf32>
    %mul3A_17 = vector.broadcast %get3A_16 : vector<1x128xf32> to vector<4096x128xf32>
    %mul3A_18 = arith.mulf %mul3A, %mul3A_17 : vector<4096x128xf32>
    %get3A_19 = arith.constant 0 : index
    %get3A_20 = arith.constant 0 : index
    %get3A_21 = vector.load %arg4[%get3A_19, %get3A_20] : memref<1x128xf32, #tpu.memory_space<vmem>>, vector<1x128xf32>
    %add3A_22 = vector.broadcast %get3A_21 : vector<1x128xf32> to vector<4096x128xf32>
    %add3A_23 = arith.addf %mul3A_18, %add3A_22 : vector<4096x128xf32>
    %max3A = arith.constant 0.000000e+00 : f32
    %max3A_24 = vector.broadcast %max3A : f32 to vector<4096x128xf32>
    %max3A_25 = arith.maximumf %add3A_23, %max3A_24 : vector<4096x128xf32>
    %get3A_26 = arith.constant 0 : index
    %get3A_27 = arith.constant 0 : index
    %get3A_28 = vector.load %arg5[%get3A_26, %get3A_27] : memref<128x64xf32, #tpu.memory_space<vmem>>, vector<128x64xf32>
    %dot_general3A = arith.constant dense<0.000000e+00> : vector<4096x64xf32>
    %dot_general3A_29 = tpu.matmul %max3A_25, %get3A_28, %dot_general3A {dimension_numbers = #tpu.dot_dimension_numbers<[1], [0], [0], [1], [0, 0, 1, 1], [], []>, transpose_lhs_hint = false} : vector<4096x128xf32>, vector<128x64xf32>, vector<4096x64xf32> -> vector<4096x64xf32>
    %get3A_30 = arith.constant 0 : index
    %get3A_31 = arith.constant 0 : index
    %get3A_32 = vector.load %arg6[%get3A_30, %get3A_31] : memref<1x64xf32, #tpu.memory_space<vmem>>, vector<1x64xf32>
    %add3A_33 = vector.broadcast %get3A_32 : vector<1x64xf32> to vector<4096x64xf32>
    %add3A_34 = arith.addf %dot_general3A_29, %add3A_33 : vector<4096x64xf32>
    %max3A_35 = arith.constant 0.000000e+00 : f32
    %max3A_36 = vector.broadcast %max3A_35 : f32 to vector<4096x64xf32>
    %max3A_37 = arith.maximumf %add3A_34, %max3A_36 : vector<4096x64xf32>
    %get3A_38 = arith.constant 0 : index
    %get3A_39 = arith.constant 0 : index
    %get3A_40 = vector.load %arg7[%get3A_38, %get3A_39] : memref<1x64xf32, #tpu.memory_space<vmem>>, vector<1x64xf32>
    %mul3A_41 = vector.broadcast %get3A_40 : vector<1x64xf32> to vector<4096x64xf32>
    %mul3A_42 = arith.mulf %max3A_37, %mul3A_41 : vector<4096x64xf32>
    %reduce_sum3A_43 = arith.constant dense<0.000000e+00> : vector<4096xf32>
    %reduce_sum3A_44 = vector.multi_reduction <add>, %mul3A_42, %reduce_sum3A_43 [1] : vector<4096x64xf32> to vector<4096xf32>
    %broadcast_in_dim3A = vector.shape_cast %reduce_sum3A_44 : vector<4096xf32> to vector<4096x1xf32>
    %get3A_45 = arith.constant 0 : index
    %get3A_46 = arith.constant 0 : index
    %get3A_47 = vector.load %arg8[%get3A_45, %get3A_46] : memref<1x1xf32, #tpu.memory_space<vmem>>, vector<1x1xf32>
    %add3A_48 = vector.broadcast %get3A_47 : vector<1x1xf32> to vector<4096x1xf32>
    %add3A_49 = arith.addf %broadcast_in_dim3A, %add3A_48 : vector<4096x1xf32>
    %neg3A = arith.constant 0.000000e+00 : f32
    %neg3A_50 = vector.broadcast %neg3A : f32 to vector<4096x1xf32>
    %neg3A_51 = arith.subf %neg3A_50, %add3A_49 : vector<4096x1xf32>
    %exp3A = math.exp %neg3A_51 : vector<4096x1xf32>
    %add3A_52 = arith.constant 1.000000e+00 : f32
    %add3A_53 = vector.broadcast %add3A_52 : f32 to vector<4096x1xf32>
    %add3A_54 = arith.addf %add3A_53, %exp3A : vector<4096x1xf32>
    %div3A = arith.constant 1.000000e+00 : f32
    %div3A_55 = vector.broadcast %div3A : f32 to vector<4096x1xf32>
    %div3A_56 = arith.divf %div3A_55, %add3A_54 : vector<4096x1xf32>
    %swap3A = arith.constant 0 : index
    %swap3A_57 = arith.constant 0 : index
    %swap3A_58 = vector.load %arg9[%swap3A, %swap3A_57] : memref<4096x1xf32, #tpu.memory_space<vmem>>, vector<4096x1xf32>
    tpu.vector_store %arg9[%swap3A, %swap3A_57], %div3A_56 {strides = array<i32>} : memref<4096x1xf32, #tpu.memory_space<vmem>>, vector<4096x1xf32>,
    return
  }
}

</mosaic_0001>

<sc_bundles>
// kernel: kernel.4.cloned.1.call-start
scs
__scs_entry_jumppad:
0x0: {  	(pc) =	sbr.rel $0x88, $3  }
0x1: {  	(tag) =	ssettag $0x0;
	lr =	simm.s32 $0x1  }
0x2: {  	[smem:$0x3F96] =	sst lr;
	_ =	strace $0xD0000000  }
0x3: {  	_ = 	snop  }
0x4: {  	_ = 	snop  }
0x5: {  	_ = 	snop  }
0x6: {  	_ = 	snop  }
0x7: {  	_ = 	snop  }
__scs_overlays_trampoline_lowered:
0x8: {  	[smem:$0x3FA5] =	sst s0  }
0x9: {  	[smem:$0x3FA6] =	sst s1  }
0xa: {  	[smem:$0x3FA7] =	sst s2  }
0xb: {  	[smem:$0x3FA8] =	sst s3  }
0xc: {  	[smem:$0x3FA9] =	sst s4  }
0xd: {  	[smem:$0x3FAA] =	sst s5  }
0xe: {  	[smem:$0x3FAB] =	sst s6  }
0xf: {  	[smem:$0x3FAC] =	sst s7  }
0x10: {  	[smem:$0x3FAD] =	sst s8  }
0x11: {  	[smem:$0x3FAE] =	sst s9;
	s0 =	simm.s32 @!p0 $0x0  }
0x12: {  	s1 =	sld [smem:$0x3F94];
	s0 =	simm.s32 @p0 $0x1  }
0x13: {  	[smem:$0x3FAF] =	sst s0;
	s0 =	simm.s32 @!p1 $0x0  }
0x14: {  	s2 =	sld [smem:$0x3F93];
	s0 =	simm.s32 @p1 $0x1  }
0x15: {  	[smem:$0x3FB0] =	sst s0;
	s0 =	simm.s32 @!p2 $0x0  }
0x16: {  	s3 =	sld [smem:$0x3FDB];
	s0 =	simm.s32 @p2 $0x1  }
0x17: {  	s4 =	simm.s32 $0x1BF5;
	[smem:$0x3FB2] =	sst s0  }
0x18: {  	s0 =	sld [smem:$0x3F95];
	_ =	swait.ge [sflag:s4], $0x0  }
0x19: {  	s7 =	sld [smem:$0x3F96]  }
0x1a: {  	s8 =	sadd.s32 $0xFFFFE003, lr  }
0x1b: {  	s9 =	sadd.s32 $0xFFFFFEF7, lr;
	s5 =	simm.s32 $0xFFFFFFFF;
	p2 =	slt.u32 s8, $0xFFFFF086  }
0x1c: {  	p1 =	slt.u32 s9, $0xF7A;
	s5 =	simm.s32 @!p2 $0x0  }
0x1d: {  	s5 =	simm.s32 @p1 $0x1;
	p0 =	seq.s32 s7, s2  }
0x1e: {  	s7 =	smul.u32 @!p0 $0xF7A, s2;
	p2 =	seq.s32 @!p0 s5, $0x0  }
0x1f: {  	s9 =	smul.u32 $0xF7A, s1;
	s8 =	simm.s32 @!p0 $0x1BF5;
	p2 =	por !p2, p0  }
0x20: {  	[sflag:s8] =	ssyncset.s32 @!p0 $0xFFFFF086;
	s6 =	sadd.s32 @!p0 s3, s7;
	s7 =	simm.s32 @!p0 $0x108  }
0x21: {  	s3 =	sadd.s32 s3, s9;
	s6 =	sadd.s32 @!p0 $0x88, s6;
	s7 =	simm.s32 @p2 $0x1082  }
0x22: {  	[simem:s7], [sflag:s8] =	dma.local @!p0 [hbm:s6], $0xF7A  }
0x23: {  	s9 =	sor.u32 $0xD0000000, s2;
	s6 =	simm.s32 $0x108;
	_ =	swait.ge @!p0 [sflag:s8], $0x0  }
0x24: {  	s3 =	sadd.s32 $0x88, s3;
	s6 =	simm.s32 @!p1 $0x1082;
	[sflag:s4] =	ssyncset.s32 $0xFFFFF086  }
0x25: {  	[simem:s6], [sflag:s4] =	dma.local [hbm:s3], $0xF7A  }
0x26: {  	[smem:$0x3F96] =	sst s1;
	(tag) =	ssettag s2;
	_ =	strace s9  }
0x27: {  	s1 =	sld [smem:$0x3FA6]  }
0x28: {  	s2 =	sld [smem:$0x3FA7]  }
0x29: {  	s4 =	sld [smem:$0x3FA9]  }
0x2a: {  	p0 =	seq.s32 s5, $0x0;
	s5 =	sld [smem:$0x3FAA]  }
0x2b: {  	s6 =	sld [smem:$0x3FAB]  }
0x2c: {  	s7 =	sld [smem:$0x3FAC]  }
0x2d: {  	s3 =	simm.s32 $0x108;
	s8 =	sld [smem:$0x3FAD]  }
0x2e: {  	s3 =	simm.s32 @!p0 $0x1082;
	s9 =	sld [smem:$0x3FAE]  }
0x2f: {  	lr =	sadd.s32 s0, s3;
	s0 =	sld [smem:$0x3FA5]  }
0x30: {  	s3 =	sld [smem:$0x3FA8]  }
0x31: {  	[smem:$0x3FB1] =	sst s10  }
0x32: {  	s10 =	sld [smem:$0x3FAF];
	_ =	sdelay $0x3  }
0x33: {  	p0 =	seq.s32 s10, $0x1;
	s10 =	sld [smem:$0x3FB1];
	_ =	sdelay $0x3  }
0x34: {  	[smem:$0x3FB1] =	sst s10  }
0x35: {  	s10 =	sld [smem:$0x3FB0];
	_ =	sdelay $0x3  }
0x36: {  	p1 =	seq.s32 s10, $0x1;
	s10 =	sld [smem:$0x3FB1];
	_ =	sdelay $0x3  }
0x37: {  	[smem:$0x3FB1] =	sst s10  }
0x38: {  	s10 =	sld [smem:$0x3FB2]  }
0x39: {  	_ = 	snop;
	(pc) =	sbr.ind lr, $3  }
0x3a: {  	_ = 	snop  }
0x3b: {  	_ = 	snop  }
0x3c: {  	p2 =	seq.s32 s10, $0x1;
	s10 =	sld [smem:$0x3FB1]  }
0x3d: {  	_ =	shalt  }
0x3e: {  	_ =	shalt  }
0x3f: {  	_ =	shalt  }
0x40: {  	_ =	shalt  }
0x41: {  	_ =	shalt  }
0x42: {  	_ =	shalt  }
0x43: {  	_ =	shalt  }
0x44: {  	_ =	shalt  }
0x45: {  	_ =	shalt  }
0x46: {  	_ =	shalt  }
0x47: {  	_ =	shalt  }
0x48: {  	_ =	shalt  }
0x49: {  	_ =	shalt  }
0x4a: {  	_ =	shalt  }
0x4b: {  	_ =	shalt  }
0x4c: {  	_ =	shalt  }
0x4d: {  	_ =	shalt  }
0x4e: {  	_ =	shalt  }
0x4f: {  	_ =	shalt  }
0x50: {  	_ =	shalt  }
0x51: {  	_ =	shalt  }
0x52: {  	_ =	shalt  }
0x53: {  	_ =	shalt  }
0x54: {  	_ =	shalt  }
0x55: {  	_ =	shalt  }
0x56: {  	_ =	shalt  }
0x57: {  	_ =	shalt  }
0x58: {  	_ =	shalt  }
0x59: {  	_ =	shalt  }
0x5a: {  	_ =	shalt  }
0x5b: {  	_ =	shalt  }
0x5c: {  	_ =	shalt  }
0x5d: {  	_ =	shalt  }
0x5e: {  	_ =	shalt  }
0x5f: {  	_ =	shalt  }
0x60: {  	_ =	shalt  }
0x61: {  	_ =	shalt  }
0x62: {  	_ =	shalt  }
0x63: {  	_ =	shalt  }
0x64: {  	_ =	shalt  }
0x65: {  	_ =	shalt  }
0x66: {  	_ =	shalt  }
0x67: {  	_ =	shalt  }
0x68: {  	_ =	shalt  }
0x69: {  	_ =	shalt  }
0x6a: {  	_ =	shalt  }
0x6b: {  	_ =	shalt  }
0x6c: {  	_ =	shalt  }
0x6d: {  	_ =	shalt  }
0x6e: {  	_ =	shalt  }
0x6f: {  	_ =	shalt  }
0x70: {  	_ =	shalt  }
0x71: {  	_ =	shalt  }
0x72: {  	_ =	shalt  }
0x73: {  	_ =	shalt  }
0x74: {  	_ =	shalt  }
0x75: {  	_ =	shalt  }
0x76: {  	_ =	shalt  }
0x77: {  	_ =	shalt  }
0x78: {  	_ =	shalt  }
0x79: {  	_ =	shalt  }
0x7a: {  	_ =	shalt  }
0x7b: {  	_ =	shalt  }
0x7c: {  	_ =	shalt  }
0x7d: {  	_ =	shalt  }
0x7e: {  	_ =	shalt  }
0x7f: {  	_ =	shalt  }
0x80: {  	_ =	shalt  }
0x81: {  	_ =	shalt  }
0x82: {  	_ =	shalt  }
0x83: {  	_ =	shalt  }
0x84: {  	_ =	shalt  }
0x85: {  	_ =	shalt  }
0x86: {  	_ =	shalt  }
0x87: {  	_ =	shalt  }
.Lfunc_end0:
.L_simem_size_0:
called_computation_lowered:
.L_overlay_start_0:
0x88: {  	s2 =	sld [smem:$0x3FD9]  }
0x89: {  	s3 =	sld [smem:$0x3FFE];
	_ =	sdelay $0x1  }
0x8a: {  	s1 =	srdreg.scid  }
0x8b: {  	s0 =	sand.u32 $0x1, s1  }
0x8c: {  	s17 =	sshll.u32 s0, $0xA;
	s2 =	sadd.s32 s3, s2  }
0x8d: {  	s2 =	sadd.s32 s2, s17  }
0x8e: {  	[smem:$0x3FBD] =	sst s2  }
0x8f: {  	_ = 	snop  }
0x90: {  	s2 =	sld [smem:$0x3FC8]  }
0x91: {  	s18 =	sld [smem:$0x3FC6]  }
0x92: {  	s4 =	sld [smem:$0x3FD0];
	(tm) =	ssettm $0x1  }
0x93: {  	s5 =	sld [smem:$0x3FFB];
	_ =	sdelay $0x3  }
0x94: {  	_ =	strace s5  }
0x95: {  	s5 =	sld [smem:$0x3FFC];
	_ =	sdelay $0x3  }
0x96: {  	_ =	strace s5  }
0x97: {  	s5 =	sld [smem:$0x3FFD];
	_ =	sdelay $0x3  }
0x98: {  	_ =	strace s5  }
0x99: {  	_ =	strace $0x8FFFFFFF  }
0x9a: {  	s19 =	sld [smem:$0x3FDB];
	_ =	sdelay $0x1  }
0x9b: {  	s6 =	simm.s32 $_scs_section_size  }
0x9c: {  	s7 =	simm.s32 $_size__tile_overlayer_lowered;
	s8 =	simm.s32 $_tile_overlayer_lowered  }
0x9d: {  	s22 =	simm.s32 $0x1BFF;
	s21 =	sshll.u32 s8, $0x1;
	s5 =	sadd.s32 s6, s19  }
0x9e: {  	s9 =	simm.s32 $0x0;
	s20 =	sshll.u32 s7, $0x1;
	s7 =	sadd.s32 s21, s5  }
0x9f: {  	[timem:s9], [sflag:s22] =	dma.local [hbm:s7], s20  }
0xa0: {  	_ =	swait.ge [sflag:s22], s20  }
0xa1: {  	s6 =	ssub.s32 $0x0, s20;
	[sflag:s22] =	ssyncset.done $0x0  }
0xa2: {  	[sflag:s22] =	ssyncadd.s32 s6;
	_ =	sdelay $0x1  }
0xa3: {  	s23 =	simm.s32 $0x1B8B  }
0xa4: {  	_ =	swait.ge [sflag:s23], $0x1  }
0xa5: {  	[sflag:s23] =	ssyncset.done $0x0  }
0xa6: {  	s25 =	simm.s32 $0x1B8E;
	s24 =	sld [smem:$0x3FFE];
	[sflag:s23] =	ssyncadd.s32 $0xFFFFFFFF  }
0xa7: {  	s26 =	simm.s32 $execute0_lowered;
	[smem:$0x3FD2] =	sst s25  }
0xa8: {  	s7 =	sshll.u32 s26, $0x1;
	_ =	strace $0x80000046;
	[dreg:$0x1] =	wrdreg $0xFFFFFFFF  }
0xa9: {  	s28 =	simm.s32 $_size_execute0_lowered;
	s5 =	sadd.s32 s5, s7;
	[dreg:$0x0] =	wrdreg $0x0  }
0xaa: {  	s7 =	sshll.u32 s28, $0x1;
	[dreg:$0x2] =	wrdreg s5  }
0xab: {  	[dreg:$0x3] =	wrdreg s7  }
0xac: {  	[dreg:$0x4] =	wrdreg $0xC0  }
0xad: {  	_ =	task [dreg:s9], $0x5FFFF  }
0xae: {  	[dreg:$0x1] =	wrdreg $0xFFFFFFFF  }
0xaf: {  	[dreg:$0x0] =	wrdreg $0x60  }
0xb0: {  	[dreg:$0x2] =	wrdreg s2  }
0xb1: {  	[dreg:$0x3] =	wrdreg s18  }
0xb2: {  	[dreg:$0x4] =	wrdreg s24  }
0xb3: {  	[dreg:$0x5] =	wrdreg s4  }
0xb4: {  	[dreg:$0x6] =	wrdreg $0x9  }
0xb5: {  	_ =	task.clear_ibuf [dreg:s9], $0x7FFFF;
	_ =	strace $0x90000046  }
0xb6: {  	s29 =	simm.s32 $0x9;
	_ =	strace $0x80000048  }
0xb7: {  	_ =	swait.ge [sflag:s29], $0x1  }
0xb8: {  	[sflag:s29] =	ssyncadd.s32 $0xFFFFFFFF  }
0xb9: {  	_ =	strace $0x90000048  }
0xba: {  	_ =	sfence  }
0xbb: {  	s30 =	sld [smem:$0x0];
	_ =	sdelay $0x2  }
0xbc: {  	s31 =	sshll.u32 s1, $0xD;
	s1 =	sshrl.u32 s1, $0x2  }
0xbd: {  	s3 =	sand.u32 $0x4000, s31;
	s1 =	sadd.s32 s1, s30  }
0xbe: {  	s0 =	sor.u32 s3, s0;
	s1 =	sshll.u32 s1, $0x11  }
0xbf: {  	s0 =	sor.u32 s1, s0  }
0xc0: {  	s0 =	sadd.s32 $0x8F2B, s0  }
0xc1: {  	[sflag:s0] =	ssyncadd.remote.s32 $0x1  }
0xc2: {  	_ =	sfence.sel $0xFFFF  }
0xc3: {  	[dreg:$0x0] =	wrdreg $0xFFFFFFFF;
	(pc) =	sbr.abs _section_cstart, $3  }
0xc4: {  	[dreg:$0x1] =	wrdreg $0xFFFFFFFF  }
0xc5: {  	_ =	task.clear_ibuf [dreg:s9], $0x2FFFF;
	_ =	strace $0x9FFFFFFF  }
0xc6: {  	(tm) =	ssettm $0x7FFFFFFF  }
0xc7: {  	_ =	shalt  }
tec
execute0_lowered:
.L_overlay_start_1:
0x0: {  	(tag) =	ssettag $0x1  }
0x1: {  	s11 =	rddreg [dreg:$0x0]  }
0x2: {  	s12 =	rddreg [dreg:$0x1]  }
0x3: {  	s8 =	rddreg [dreg:$0x2]  }
0x4: {  	s1 =	srdreg.scid;
	s0 =	stileid.u32  }
0x5: {  	s2 =	rddreg [dreg:$0x3];
	s17 =	simm.s32 $0x80;
	s18 =	simm.s32 $0x400  }
0x6: {  	s19 =	simm.s32 $0x2000;
	s20 =	simm.s32 $0x1B700;
	s21 =	simm.s32 $0x1A700  }
0x7: {  	s9 =	sand.u32 $0x1, s1;
	s3 =	sshll.u32 s0, $0x1;
	s1 =	rddreg [dreg:$0x4]  }
0x8: {  	s6 =	sshrl.u32 s0, $0x2;
	s22 =	sor.u32 s9, s3;
	s3 =	simm.s32 $0x0  }
0x9: {  	s5 =	sshll.u32 s6, $0xA;
	s13 =	smul.u32 $0xC3800, s6;
	s6 =	sadd.s32 $0xE00, s8  }
0xa: {  	s9 =	ssub.s32 $0x2, s9;
	s4 =	sshll.u32 s22, $0x7;
	[smem:$0x7FF] =	sst s3  }
0xb: {  	s30 =	sshrl.u32 s9, $0x1;
	p0 =	seq.s32 s22, $0x1;
	p1 =	sne.s32 s22, $0x0  }
0xc: {  	s22 =	simm.s32 $0x0;
	s10 =	sand.u32 $0x380, s4;
	_ =	strace $0x80000047  }
0xd: {  	s4 =	sadd.s32 $0x1000, s8;
	s16 =	ssub.s32 s9, s30;
	s7 =	sor.u32 s5, s10  }
0xe: {  	s5 =	sadd.s32 $0x4200, s8;
	s10 =	sor.u32 s13, s10;
	s7 =	sshrl.u32 s7, $0x3  }
.Ltmp0:
0xf: {  	s15 =	sshrl.u32 s10, $0x3;
	s10 =	sadd.s32 $0x30E000, s10;
	(pc) =	sbr.rel .LBB2_1-.Ltmp0, $4  }
0x10: {  	s14 =	sadd.s32 s7, s8;
	s7 =	sadd.s32 $0x7400, s8;
	s8 =	sadd.s32 $0x7600, s8  }
0x11: {  	s9 =	sadd.s32 s11, s15;
	s31 =	sshrl.u32 s10, $0x3;
	s10 =	sadd.s32 s12, s15  }
0x12: {  	s15 =	simm.s32 $0x1;
	s11 =	sadd.s32 s11, s31;
	s12 =	sadd.s32 s12, s31  }
0x13: {  	s13 =	sadd.s32 $0x7800, s14;
	s14 =	smax.u32 s16, $0x1;
	s16 =	simm.s32 $0x1000  }
.LBB2_17:
0x14: {  	[hbm4b:s23+s3] =	stream.linear.scatter [tilespmem:s21], [sflag:$0x1], $0x1000, $0x38;
	[tilespmem:$0x1B780] =	vst v63  }
0x15: {  	_ =	swait.ge [sflag:s15], $0x1000  }
0x16: {  	[sflag:s15] =	ssyncset.done $0x0  }
0x17: {  	[sflag:s15] =	ssyncadd.s32 $0xFFFFF000  }
.LBB2_18:
0x18: {  	s22 =	sadd.s32 $0x1, s22  }
0x19: {  	p2 =	sne.s32 s22, s14  }
.Ltmp1:
0x1a: {  	_ = 	snop;
	(pc) =	sbr.rel @!p2 .LBB2_19-.Ltmp1, $1  }
0x1b: {  	_ =	sdelay $0x3  }
.LBB2_1:
0x1c: {  	[tilespmem:s3], [sflag:$0x1] =	stream.linear.gather [hbm4b:s6+s3], $0x1000, $0x38;
	[tilespmem:$0x1B780] =	vst v63  }
0x1d: {  	_ =	swait.ge [sflag:s15], $0x1000  }
0x1e: {  	[sflag:s15] =	ssyncset.done $0x0  }
0x1f: {  	[sflag:s15] =	ssyncadd.s32 $0xFFFFF000  }
0x20: {  	[tilespmem:s16], [sflag:$0x1] =	stream.linear.gather [hbm4b:s2+s3], $0x1000, $0x38;
	[tilespmem:$0x1B780] =	vst v63  }
0x21: {  	_ =	swait.ge [sflag:s15], $0x1000  }
0x22: {  	[sflag:s15] =	ssyncset.done $0x0  }
0x23: {  	[sflag:s15] =	ssyncadd.s32 $0xFFFFF000  }
0x24: {  	[tilespmem:s19], [sflag:$0x1] =	stream.strided.gather [hbm4b:s9+s17], $0x18700, s18, s17, $0x38;
	[tilespmem:$0x1B780] =	vst v63  }
0x25: {  	_ =	swait.ge [sflag:s15], $0x18700  }
0x26: {  	[sflag:s15] =	ssyncset.done $0x0  }
0x27: {  	s23 =	simm.s32 $0x0;
	[sflag:s15] =	ssyncadd.s32 $0xFFFE7900  }
0x28: {  	v0 =	vld [tilespmem:s23+$0x0];
	_ =	sdelay $0x5  }
0x29: {  	v1 =	vld [tilespmem:s23+$0x10];
	_ =	sdelay $0x1  }
0x2a: {  	v0 =	vld.idx.msk [tilespmem:v0+s19+$0x0], $0xffff;
	_ =	sdelay $0x4  }
0x2b: {  	v2 =	vld [tilespmem:s23+$0x20];
	[tilespmem:s23+$0x1A700] =	vst v0  }
0x2c: {  	v0 =	vld.idx.msk [tilespmem:v1+s19+$0x0], $0xffff;
	_ =	sdelay $0x4  }
0x2d: {  	[tilespmem:s23+$0x1A710] =	vst v0;
	v0 =	vld [tilespmem:s23+$0x30];
	_ =	sdelay $0x1  }
0x2e: {  	v1 =	vld.idx.msk [tilespmem:v2+s19+$0x0], $0xffff;
	_ =	sdelay $0x3  }
0x2f: {  	s25 =	simm.s32 $0x40;
	s24 =	simm.s32 $0x200  }
.LBB2_2:
0x30: {  	p2 =	sne.s32 s24, $0x3F00;
	v2 =	vld [tilespmem:s25+$0x0];
	[tilespmem:s23+$0x1A720] =	vst v1  }
0x31: {  	v0 =	vld.idx.msk [tilespmem:v0+s19+$0x0], $0xffff;
	_ =	sdelay $0x5  }
0x32: {  	v1 =	vld [tilespmem:s25+$0x10];
	[tilespmem:s23+$0x1A730] =	vst v0;
	s23 =	smov.u32 s25  }
0x33: {  	v0 =	vld.idx.msk [tilespmem:v2+s19+$0x0], $0xffff;
	_ =	sdelay $0x5  }
0x34: {  	[tilespmem:s23+$0x1A700] =	vst v0;
	v2 =	vld [tilespmem:s23+$0x20]  }
0x35: {  	v0 =	vld.idx.msk [tilespmem:v1+s19+$0x0], $0xffff;
	_ =	sdelay $0x5  }
0x36: {  	[tilespmem:s23+$0x1A710] =	vst v0;
	v0 =	vld [tilespmem:s23+$0x30]  }
0x37: {  	v1 =	vld.idx.msk [tilespmem:v2+s19+$0x0], $0xffff  }
.Ltmp2:
0x38: {  	(pc) =	sbr.rel @p2 .LBB2_2-.Ltmp2, $2  }
0x39: {  	_ =	sdelay $0x2  }
0x3a: {  	s25 =	sshra.s32 s24, $0x2;
	s24 =	sadd.s32 $0x100, s24  }
0x3b: {  	_ =	sdelay $0x1  }
0x3c: {  	v2 =	vld [tilespmem:s25+$0x0]  }
0x3d: {  	[tilespmem:s23+$0x1A720] =	vst v1  }
0x3e: {  	v0 =	vld.idx.msk [tilespmem:v0+s19+$0x0], $0xffff;
	_ =	sdelay $0x3  }
0x3f: {  	v1 =	vld [tilespmem:s25+$0x10]  }
0x40: {  	[tilespmem:s23+$0x1A730] =	vst v0  }
0x41: {  	v0 =	vld.idx.msk [tilespmem:v2+s19+$0x0], $0xffff;
	_ =	sdelay $0x4  }
0x42: {  	[tilespmem:s25+$0x1A700] =	vst v0;
	v0 =	vld [tilespmem:s25+$0x20]  }
0x43: {  	v1 =	vld.idx.msk [tilespmem:v1+s19+$0x0], $0xffff;
	_ =	sdelay $0x4  }
0x44: {  	[tilespmem:s25+$0x1A710] =	vst v1;
	v1 =	vld [tilespmem:s25+$0x30];
	_ =	sdelay $0x1  }
0x45: {  	v0 =	vld.idx.msk [tilespmem:v0+s19+$0x0], $0xffff;
	_ =	sdelay $0x4  }
0x46: {  	[tilespmem:s25+$0x1A720] =	vst v0  }
0x47: {  	v0 =	vld.idx.msk [tilespmem:v1+s19+$0x0], $0xffff;
	_ =	sdelay $0x4  }
0x48: {  	[tilespmem:s25+$0x1A730] =	vst v0  }
0x49: {  	[tilespmem:s19], [sflag:$0x1] =	stream.strided.gather [hbm4b:s10+s17], $0x18700, s18, s17, $0x38;
	[tilespmem:$0x1B780] =	vst v63  }
0x4a: {  	_ =	swait.ge [sflag:s15], $0x18700  }
0x4b: {  	[sflag:s15] =	ssyncset.done $0x0  }
0x4c: {  	s30 =	simm.s32 $0x0;
	[sflag:s15] =	ssyncadd.s32 $0xFFFE7900  }
0x4d: {  	v0 =	vld [tilespmem:s30+$0x1030]  }
0x4e: {  	v1 =	vld [tilespmem:s30+$0x1000]  }
0x4f: {  	v2 =	vld [tilespmem:s30+$0x1010]  }
0x50: {  	v3 =	vld [tilespmem:s30+$0x1020]  }
0x51: {  	v4 =	vld [tilespmem:s30+$0x1A700]  }
0x52: {  	v5 =	vld [tilespmem:s30+$0x1A710]  }
0x53: {  	v11 =	vld [tilespmem:s30+$0x1A720]  }
0x54: {  	s31 =	simm.s32 $0x40;
	v8 =	vld [tilespmem:s30+$0x1A730]  }
0x55: {  	v13 =	vld [tilespmem:s31+$0x1000]  }
0x56: {  	v14 =	vld [tilespmem:s31+$0x1010]  }
0x57: {  	v10 =	vld [tilespmem:s31+$0x1020]  }
0x58: {  	v12 =	vld.idx.msk [tilespmem:v2+s19+$0x0], $0xffff  }
0x59: {  	v2 =	vld [tilespmem:s31+$0x1030]  }
0x5a: {  	v6 =	vld [tilespmem:s31+$0x1A720]  }
0x5b: {  	v9 =	vld.idx.msk [tilespmem:v1+s19+$0x0], $0xffff  }
0x5c: {  	v7 =	vld.idx.msk [tilespmem:v0+s19+$0x0], $0xffff  }
0x5d: {  	v15 =	vld.idx.msk [tilespmem:v3+s19+$0x0], $0xffff  }
0x5e: {  	v1 =	vld [tilespmem:s31+$0x1A700]  }
0x5f: {  	v0 =	vld [tilespmem:s31+$0x1A710]  }
0x60: {  	v4 =	vmul.f32 v4, v9;
	v12 =	vmul.f32 v5, v12;
	v9 =	vld [tilespmem:s31+$0x1A730]  }
0x61: {  	v3 =	vmul.f32 v8, v7;
	v7 =	vld.idx.msk [tilespmem:v2+s19+$0x0], $0xffff;
	v2 =	vimm.f32 $0.0e+00  }
0x62: {  	v8 =	vld.idx.msk [tilespmem:v13+s19+$0x0], $0xffff;
	v5 =	vadd.f32 v4, v2;
	v4 =	vadd.f32 v12, v2;
	v12 =	vmul.f32 v11, v15  }
0x63: {  	s24 =	simm.s32 $0x300;
	s23 =	simm.s32 $0x80;
	v3 =	vadd.f32 v3, v2;
	v11 =	vld.idx.msk [tilespmem:v14+s19+$0x0], $0xffff  }
.LBB2_4:
0x64: {  	p2 =	sne.s32 s24, $0x3F00;
	v13 =	vld [tilespmem:s23+$0x1030];
	v2 =	vadd.f32 v12, v2;
	v12 =	vmov v6  }
0x65: {  	v14 =	vld [tilespmem:s23+$0x1000]  }
0x66: {  	v15 =	vld [tilespmem:s23+$0x1010];
	v6 =	vmul.f32 v9, v7  }
0x67: {  	v9 =	vld [tilespmem:s23+$0x1020]  }
0x68: {  	v7 =	vmul.f32 v1, v8;
	v16 =	vld.idx.msk [tilespmem:v10+s19+$0x0], $0xffff;
	v3 =	vadd.f32 v6, v3  }
0x69: {  	v8 =	vmul.f32 v0, v11;
	v1 =	vld [tilespmem:s23+$0x1A700]  }
0x6a: {  	v5 =	vadd.f32 v7, v5;
	v0 =	vld [tilespmem:s23+$0x1A710]  }
.Ltmp3:
0x6b: {  	v4 =	vadd.f32 v8, v4;
	v6 =	vld [tilespmem:s23+$0x1A720];
	(pc) =	sbr.rel @p2 .LBB2_4-.Ltmp3, $4  }
0x6c: {  	v7 =	vld.idx.msk [tilespmem:v13+s19+$0x0], $0xffff;
	v10 =	vmov v9  }
0x6d: {  	v9 =	vld [tilespmem:s23+$0x1A730]  }
0x6e: {  	v12 =	vmul.f32 v12, v16;
	v8 =	vld.idx.msk [tilespmem:v14+s19+$0x0], $0xffff  }
0x6f: {  	s23 =	sshra.s32 s24, $0x2;
	s24 =	sadd.s32 $0x100, s24;
	v11 =	vld.idx.msk [tilespmem:v15+s19+$0x0], $0xffff  }
0x70: {  	v13 =	vld [tilespmem:s23+$0x1030]  }
0x71: {  	v14 =	vld [tilespmem:s23+$0x1000]  }
0x72: {  	v15 =	vld [tilespmem:s23+$0x1010]  }
0x73: {  	v16 =	vld [tilespmem:s23+$0x1020]  }
0x74: {  	v10 =	vld.idx.msk [tilespmem:v10+s19+$0x0], $0xffff  }
0x75: {  	v17 =	vld [tilespmem:s23+$0x1A700]  }
0x76: {  	v18 =	vld [tilespmem:s23+$0x1A710]  }
0x77: {  	v19 =	vld [tilespmem:s23+$0x1A720]  }
0x78: {  	v20 =	vld [tilespmem:s23+$0x1A730]  }
0x79: {  	v13 =	vld.idx.msk [tilespmem:v13+s19+$0x0], $0xffff  }
0x7a: {  	v14 =	vld.idx.msk [tilespmem:v14+s19+$0x0], $0xffff  }
0x7b: {  	v15 =	vld.idx.msk [tilespmem:v15+s19+$0x0], $0xffff  }
0x7c: {  	v16 =	vld.idx.msk [tilespmem:v16+s19+$0x0], $0xffff;
	[tilespmem:s19], [sflag:$0x1] =	stream.strided.gather [hbm4b:s11+s17], $0x18700, s18, s17, $0x38  }
0x7d: {  	_ =	swait.ge [sflag:s15], $0x18700  }
0x7e: {  	[sflag:s15] =	ssyncset.done $0x0  }
0x7f: {  	s23 =	simm.s32 $0x0;
	[sflag:s15] =	ssyncadd.s32 $0xFFFE7900  }
0x80: {  	v21 =	vld [tilespmem:s23+$0x0];
	_ =	sdelay $0x5  }
0x81: {  	v22 =	vld [tilespmem:s23+$0x10];
	_ =	sdelay $0x1  }
0x82: {  	v21 =	vld.idx.msk [tilespmem:v21+s19+$0x0], $0xffff;
	_ =	sdelay $0x3  }
0x83: {  	v62 =	vld [tilespmem:s23+$0x20]  }
0x84: {  	v1 =	vmul.f32 v1, v8;
	[tilespmem:s23+$0x1A700] =	vst v21  }
0x85: {  	v7 =	vmul.f32 v9, v7;
	v0 =	vmul.f32 v0, v11;
	v22 =	vld.idx.msk [tilespmem:v22+s19+$0x0], $0xffff  }
0x86: {  	v2 =	vadd.f32 v12, v2;
	v1 =	vadd.f32 v1, v5;
	v5 =	vmul.f32 v6, v10  }
0x87: {  	v3 =	vadd.f32 v7, v3;
	v0 =	vadd.f32 v0, v4;
	v4 =	vmul.f32 v20, v13  }
0x88: {  	v5 =	vadd.f32 v5, v2  }
0x89: {  	v7 =	vmul.f32 v18, v15;
	v63 =	vmul.f32 v19, v16;
	v2 =	vadd.f32 v4, v3;
	v4 =	vld [tilespmem:s23+$0x30]  }
0x8a: {  	[tilespmem:s23+$0x1A710] =	vst v22  }
0x8b: {  	v3 =	vadd.f32 v7, v0;
	v0 =	vadd.f32 v63, v5;
	v5 =	vld.idx.msk [tilespmem:v62+s19+$0x0], $0xffff;
	_ =	sdelay $0x1  }
0x8c: {  	v6 =	vmul.f32 v17, v14;
	_ =	sdelay $0x1  }
0x8d: {  	s25 =	simm.s32 $0x40;
	s24 =	simm.s32 $0x200;
	v1 =	vadd.f32 v6, v1  }
.LBB2_6:
0x8e: {  	p2 =	sne.s32 s24, $0x3F00;
	v6 =	vld [tilespmem:s25+$0x0];
	[tilespmem:s23+$0x1A720] =	vst v5  }
0x8f: {  	v4 =	vld.idx.msk [tilespmem:v4+s19+$0x0], $0xffff;
	_ =	sdelay $0x5  }
0x90: {  	v5 =	vld [tilespmem:s25+$0x10];
	[tilespmem:s23+$0x1A730] =	vst v4;
	s23 =	smov.u32 s25  }
0x91: {  	v4 =	vld.idx.msk [tilespmem:v6+s19+$0x0], $0xffff;
	_ =	sdelay $0x5  }
0x92: {  	[tilespmem:s23+$0x1A700] =	vst v4;
	v6 =	vld [tilespmem:s23+$0x20]  }
0x93: {  	v4 =	vld.idx.msk [tilespmem:v5+s19+$0x0], $0xffff;
	_ =	sdelay $0x5  }
0x94: {  	[tilespmem:s23+$0x1A710] =	vst v4;
	v4 =	vld [tilespmem:s23+$0x30]  }
0x95: {  	v5 =	vld.idx.msk [tilespmem:v6+s19+$0x0], $0xffff  }
.Ltmp4:
0x96: {  	(pc) =	sbr.rel @p2 .LBB2_6-.Ltmp4, $2  }
0x97: {  	_ =	sdelay $0x2  }
0x98: {  	s25 =	sshra.s32 s24, $0x2;
	s24 =	sadd.s32 $0x100, s24  }
0x99: {  	_ =	sdelay $0x1  }
0x9a: {  	v6 =	vld [tilespmem:s25+$0x0]  }
0x9b: {  	[tilespmem:s23+$0x1A720] =	vst v5  }
0x9c: {  	v4 =	vld.idx.msk [tilespmem:v4+s19+$0x0], $0xffff;
	_ =	sdelay $0x3  }
0x9d: {  	v5 =	vld [tilespmem:s25+$0x10]  }
0x9e: {  	[tilespmem:s23+$0x1A730] =	vst v4  }
0x9f: {  	v4 =	vld.idx.msk [tilespmem:v6+s19+$0x0], $0xffff;
	_ =	sdelay $0x4  }
0xa0: {  	[tilespmem:s25+$0x1A700] =	vst v4;
	v4 =	vld [tilespmem:s25+$0x20]  }
0xa1: {  	v5 =	vld.idx.msk [tilespmem:v5+s19+$0x0], $0xffff;
	_ =	sdelay $0x4  }
0xa2: {  	[tilespmem:s25+$0x1A710] =	vst v5;
	v5 =	vld [tilespmem:s25+$0x30];
	_ =	sdelay $0x1  }
0xa3: {  	v4 =	vld.idx.msk [tilespmem:v4+s19+$0x0], $0xffff;
	_ =	sdelay $0x4  }
0xa4: {  	[tilespmem:s25+$0x1A720] =	vst v4  }
0xa5: {  	v4 =	vld.idx.msk [tilespmem:v5+s19+$0x0], $0xffff;
	_ =	sdelay $0x4  }
0xa6: {  	[tilespmem:s25+$0x1A730] =	vst v4  }
0xa7: {  	[tilespmem:s19], [sflag:$0x1] =	stream.strided.gather [hbm4b:s12+s17], $0x18700, s18, s17, $0x38;
	[tilespmem:$0x1B780] =	vst v63  }
0xa8: {  	_ =	swait.ge [sflag:s15], $0x18700  }
0xa9: {  	[sflag:s15] =	ssyncset.done $0x0  }
0xaa: {  	s30 =	simm.s32 $0x0;
	[sflag:s15] =	ssyncadd.s32 $0xFFFE7900  }
0xab: {  	v4 =	vld [tilespmem:s30+$0x1030]  }
0xac: {  	v5 =	vld [tilespmem:s30+$0x1000]  }
0xad: {  	v6 =	vld [tilespmem:s30+$0x1010]  }
0xae: {  	v7 =	vld [tilespmem:s30+$0x1020]  }
0xaf: {  	v10 =	vld [tilespmem:s30+$0x1A700]  }
0xb0: {  	v11 =	vld [tilespmem:s30+$0x1A710]  }
0xb1: {  	v12 =	vld [tilespmem:s30+$0x1A720]  }
0xb2: {  	s31 =	simm.s32 $0x40;
	v13 =	vld [tilespmem:s30+$0x1A730]  }
0xb3: {  	v15 =	vld [tilespmem:s31+$0x1030]  }
0xb4: {  	v16 =	vld [tilespmem:s31+$0x1000]  }
0xb5: {  	v17 =	vld [tilespmem:s31+$0x1010]  }
0xb6: {  	v8 =	vld [tilespmem:s31+$0x1020]  }
0xb7: {  	v9 =	vld.idx.msk [tilespmem:v4+s19+$0x0], $0xffff  }
0xb8: {  	v14 =	vld.idx.msk [tilespmem:v5+s19+$0x0], $0xffff  }
0xb9: {  	v6 =	vld.idx.msk [tilespmem:v6+s19+$0x0], $0xffff  }
0xba: {  	v18 =	vld.idx.msk [tilespmem:v7+s19+$0x0], $0xffff  }
0xbb: {  	v5 =	vld [tilespmem:s31+$0x1A700]  }
0xbc: {  	v4 =	vld [tilespmem:s31+$0x1A710]  }
0xbd: {  	v7 =	vld [tilespmem:s31+$0x1A720]  }
0xbe: {  	v13 =	vmul.f32 v13, v9;
	v9 =	vld.idx.msk [tilespmem:v15+s19+$0x0], $0xffff  }
0xbf: {  	v14 =	vmul.f32 v10, v14;
	v15 =	vmul.f32 v11, v6;
	v11 =	vld [tilespmem:s31+$0x1A730]  }
0xc0: {  	v10 =	vld.idx.msk [tilespmem:v16+s19+$0x0], $0xffff;
	v12 =	vmul.f32 v12, v18;
	v2 =	vadd.f32 v13, v2  }
0xc1: {  	s24 =	simm.s32 $0x300;
	s23 =	simm.s32 $0x80;
	v6 =	vadd.f32 v14, v1;
	v1 =	vadd.f32 v15, v3;
	v3 =	vld.idx.msk [tilespmem:v17+s19+$0x0], $0xffff  }
.LBB2_8:
0xc2: {  	p2 =	sne.s32 s24, $0x3F00;
	v13 =	vld [tilespmem:s23+$0x1030];
	v0 =	vadd.f32 v12, v0;
	v12 =	vmov v7  }
0xc3: {  	v14 =	vld [tilespmem:s23+$0x1000]  }
0xc4: {  	v15 =	vld [tilespmem:s23+$0x1010];
	v7 =	vmul.f32 v11, v9  }
0xc5: {  	v11 =	vld [tilespmem:s23+$0x1020]  }
0xc6: {  	v9 =	vmul.f32 v5, v10;
	v16 =	vld.idx.msk [tilespmem:v8+s19+$0x0], $0xffff;
	v2 =	vadd.f32 v7, v2  }
0xc7: {  	v3 =	vmul.f32 v4, v3;
	v5 =	vld [tilespmem:s23+$0x1A700]  }
0xc8: {  	v6 =	vadd.f32 v9, v6;
	v4 =	vld [tilespmem:s23+$0x1A710]  }
.Ltmp5:
0xc9: {  	v1 =	vadd.f32 v3, v1;
	v7 =	vld [tilespmem:s23+$0x1A720];
	(pc) =	sbr.rel @p2 .LBB2_8-.Ltmp5, $4  }
0xca: {  	v9 =	vld.idx.msk [tilespmem:v13+s19+$0x0], $0xffff;
	v8 =	vmov v11  }
0xcb: {  	v11 =	vld [tilespmem:s23+$0x1A730]  }
0xcc: {  	v12 =	vmul.f32 v12, v16;
	v10 =	vld.idx.msk [tilespmem:v14+s19+$0x0], $0xffff  }
0xcd: {  	s23 =	sshra.s32 s24, $0x2;
	s24 =	sadd.s32 $0x100, s24;
	v3 =	vld.idx.msk [tilespmem:v15+s19+$0x0], $0xffff  }
0xce: {  	v13 =	vld [tilespmem:s23+$0x1030]  }
0xcf: {  	v14 =	vld [tilespmem:s23+$0x1000]  }
0xd0: {  	v15 =	vld [tilespmem:s23+$0x1010]  }
0xd1: {  	v16 =	vld [tilespmem:s23+$0x1020]  }
0xd2: {  	v8 =	vld.idx.msk [tilespmem:v8+s19+$0x0], $0xffff  }
0xd3: {  	v17 =	vld [tilespmem:s23+$0x1A700]  }
0xd4: {  	v18 =	vld [tilespmem:s23+$0x1A710]  }
0xd5: {  	v19 =	vld [tilespmem:s23+$0x1A720]  }
0xd6: {  	v20 =	vld [tilespmem:s23+$0x1A730]  }
0xd7: {  	v13 =	vld.idx.msk [tilespmem:v13+s19+$0x0], $0xffff  }
0xd8: {  	v14 =	vld.idx.msk [tilespmem:v14+s19+$0x0], $0xffff  }
0xd9: {  	v15 =	vld.idx.msk [tilespmem:v15+s19+$0x0], $0xffff  }
0xda: {  	v16 =	vld.idx.msk [tilespmem:v16+s19+$0x0], $0xffff  }
0xdb: {  	v9 =	vmul.f32 v11, v9;
	v5 =	vmul.f32 v5, v10  }
0xdc: {  	v0 =	vadd.f32 v12, v0;
	v3 =	vmul.f32 v4, v3  }
0xdd: {  	v2 =	vadd.f32 v9, v2;
	v57 =	vadd.f32 v5, v6;
	v58 =	vmul.f32 v7, v8  }
0xde: {  	v1 =	vadd.f32 v3, v1;
	v59 =	vmul.f32 v20, v13;
	v60 =	vmul.f32 v17, v14  }
0xdf: {  	v0 =	vadd.f32 v58, v0;
	v61 =	vmul.f32 v18, v15;
	v62 =	vmul.f32 v19, v16  }
0xe0: {  	v2 =	vadd.f32 v59, v2;
	v63 =	vadd.f32 v60, v57  }
0xe1: {  	v1 =	vadd.f32 v61, v1;
	v0 =	vadd.f32 v62, v0;
	_ =	sdelay $0x1  }
0xe2: {  	v1 =	vadd.f32 v1, v63;
	v0 =	vadd.f32 v2, v0;
	_ =	sdelay $0x1  }
0xe3: {  	v0 =	vadd.f32 v0, v1;
	_ =	sdelay $0x1  }
.Ltmp6:
0xe4: {  	[tilespmem:$0x1B700] =	vst v0;
	(pc) =	sbr.rel @p0 .LBB2_14-.Ltmp6, $4  }
0xe5: {  	[hbm4b:s13+s3] =	stream.linear.scatter [tilespmem:s20], [sflag:$0x1], $0x80, $0x38;
	[tilespmem:$0x1B780] =	vst v63  }
0xe6: {  	_ =	swait.ge [sflag:s15], $0x80  }
0xe7: {  	[sflag:s15] =	ssyncset.done $0x0  }
0xe8: {  	[sflag:s15] =	ssyncadd.s32 $0xFFFFFF80  }
.Ltmp7:
0xe9: {  	(pc) =	sbr.rel @p1 .LBB2_18-.Ltmp7, $1  }
0xea: {  	_ =	sdelay $0x3  }
0xeb: {  	s23 =	simm.s32 $0x0  }
0xec: {  	[tilespmem:s19], [sflag:$0x1] =	stream.linear.gather [hbm4b:s4+s23], $0x18700, $0x38;
	[tilespmem:$0x1B780] =	vst v63  }
0xed: {  	_ =	swait.ge [sflag:s15], $0x18700  }
0xee: {  	[sflag:s15] =	ssyncset.done $0x0  }
0xef: {  	s23 =	simm.s32 $0x0;
	[sflag:s15] =	ssyncadd.s32 $0xFFFE7900  }
0xf0: {  	v0 =	vld [tilespmem:s23+$0x0];
	_ =	sdelay $0x5  }
0xf1: {  	v1 =	vld [tilespmem:s23+$0x10];
	_ =	sdelay $0x1  }
0xf2: {  	v0 =	vld.idx.msk [tilespmem:v0+s19+$0x0], $0xffff;
	_ =	sdelay $0x4  }
0xf3: {  	v2 =	vld [tilespmem:s23+$0x20];
	[tilespmem:s23+$0x1A700] =	vst v0  }
0xf4: {  	v0 =	vld.idx.msk [tilespmem:v1+s19+$0x0], $0xffff;
	_ =	sdelay $0x4  }
0xf5: {  	[tilespmem:s23+$0x1A710] =	vst v0;
	v0 =	vld [tilespmem:s23+$0x30];
	_ =	sdelay $0x1  }
0xf6: {  	v1 =	vld.idx.msk [tilespmem:v2+s19+$0x0], $0xffff;
	_ =	sdelay $0x3  }
0xf7: {  	s25 =	simm.s32 $0x40;
	s24 =	simm.s32 $0x200  }
.LBB2_12:
0xf8: {  	p2 =	seq.s32 s24, $0x3F00;
	v2 =	vld [tilespmem:s25+$0x0];
	[tilespmem:s23+$0x1A720] =	vst v1  }
0xf9: {  	v0 =	vld.idx.msk [tilespmem:v0+s19+$0x0], $0xffff;
	_ =	sdelay $0x5  }
0xfa: {  	v1 =	vld [tilespmem:s25+$0x10];
	[tilespmem:s23+$0x1A730] =	vst v0;
	s23 =	smov.u32 s25  }
0xfb: {  	v0 =	vld.idx.msk [tilespmem:v2+s19+$0x0], $0xffff;
	_ =	sdelay $0x5  }
0xfc: {  	[tilespmem:s23+$0x1A700] =	vst v0;
	v2 =	vld [tilespmem:s23+$0x20]  }
0xfd: {  	v0 =	vld.idx.msk [tilespmem:v1+s19+$0x0], $0xffff;
	_ =	sdelay $0x5  }
0xfe: {  	[tilespmem:s23+$0x1A710] =	vst v0;
	v0 =	vld [tilespmem:s23+$0x30]  }
0xff: {  	v1 =	vld.idx.msk [tilespmem:v2+s19+$0x0], $0xffff  }
.Ltmp8:
0x100: {  	(pc) =	sbr.rel @!p2 .LBB2_12-.Ltmp8, $2  }
0x101: {  	_ =	sdelay $0x2  }
0x102: {  	s25 =	sshra.s32 s24, $0x2;
	s24 =	sadd.s32 $0x100, s24  }
0x103: {  	_ =	sdelay $0x1  }
0x104: {  	v2 =	vld [tilespmem:s25+$0x0]  }
0x105: {  	[tilespmem:s23+$0x1A720] =	vst v1  }
0x106: {  	v0 =	vld.idx.msk [tilespmem:v0+s19+$0x0], $0xffff;
	_ =	sdelay $0x3  }
0x107: {  	v1 =	vld [tilespmem:s25+$0x10]  }
0x108: {  	[tilespmem:s23+$0x1A730] =	vst v0  }
0x109: {  	v0 =	vld.idx.msk [tilespmem:v2+s19+$0x0], $0xffff;
	_ =	sdelay $0x3  }
0x10a: {  	v62 =	vld [tilespmem:s25+$0x20]  }
0x10b: {  	[tilespmem:s25+$0x1A700] =	vst v0  }
0x10c: {  	v1 =	vld.idx.msk [tilespmem:v1+s19+$0x0], $0xffff;
	_ =	sdelay $0x3  }
0x10d: {  	v63 =	vld [tilespmem:s25+$0x30]  }
0x10e: {  	[tilespmem:s25+$0x1A710] =	vst v1  }
0x10f: {  	v0 =	vld.idx.msk [tilespmem:v62+s19+$0x0], $0xffff;
	_ =	sdelay $0x4  }
0x110: {  	[tilespmem:s25+$0x1A720] =	vst v0  }
0x111: {  	v0 =	vld.idx.msk [tilespmem:v63+s19+$0x0], $0xffff  }
.Ltmp9:
0x112: {  	_ = 	snop;
	(pc) =	sbr.rel .LBB2_17-.Ltmp9, $2  }
0x113: {  	_ =	sdelay $0x2  }
0x114: {  	s23 =	smov.u32 s7;
	[tilespmem:s25+$0x1A730] =	vst v0  }
.LBB2_14:
0x115: {  	s23 =	simm.s32 $0x0  }
0x116: {  	[tilespmem:s19], [sflag:$0x1] =	stream.linear.gather [hbm4b:s5+s23], $0x18700, $0x38;
	[tilespmem:$0x1B780] =	vst v63  }
0x117: {  	_ =	swait.ge [sflag:s15], $0x18700  }
0x118: {  	[sflag:s15] =	ssyncset.done $0x0  }
0x119: {  	s23 =	simm.s32 $0x0;
	[sflag:s15] =	ssyncadd.s32 $0xFFFE7900  }
0x11a: {  	v0 =	vld [tilespmem:s23+$0x1000];
	_ =	sdelay $0x5  }
0x11b: {  	v1 =	vld [tilespmem:s23+$0x1010];
	_ =	sdelay $0x1  }
0x11c: {  	v0 =	vld.idx.msk [tilespmem:v0+s19+$0x0], $0xffff;
	_ =	sdelay $0x4  }
0x11d: {  	v2 =	vld [tilespmem:s23+$0x1020];
	[tilespmem:s23+$0x1A700] =	vst v0  }
0x11e: {  	v0 =	vld.idx.msk [tilespmem:v1+s19+$0x0], $0xffff;
	_ =	sdelay $0x4  }
0x11f: {  	[tilespmem:s23+$0x1A710] =	vst v0;
	v0 =	vld [tilespmem:s23+$0x1030];
	_ =	sdelay $0x1  }
0x120: {  	v1 =	vld.idx.msk [tilespmem:v2+s19+$0x0], $0xffff;
	_ =	sdelay $0x3  }
0x121: {  	s25 =	simm.s32 $0x40;
	s24 =	simm.s32 $0x200  }
.LBB2_15:
0x122: {  	p2 =	sne.s32 s24, $0x3F00;
	v2 =	vld [tilespmem:s25+$0x1000];
	[tilespmem:s23+$0x1A720] =	vst v1  }
0x123: {  	v0 =	vld.idx.msk [tilespmem:v0+s19+$0x0], $0xffff;
	_ =	sdelay $0x5  }
0x124: {  	v1 =	vld [tilespmem:s25+$0x1010];
	[tilespmem:s23+$0x1A730] =	vst v0;
	s23 =	smov.u32 s25  }
0x125: {  	v0 =	vld.idx.msk [tilespmem:v2+s19+$0x0], $0xffff;
	_ =	sdelay $0x5  }
0x126: {  	[tilespmem:s23+$0x1A700] =	vst v0;
	v2 =	vld [tilespmem:s23+$0x1020]  }
0x127: {  	v0 =	vld.idx.msk [tilespmem:v1+s19+$0x0], $0xffff;
	_ =	sdelay $0x5  }
0x128: {  	[tilespmem:s23+$0x1A710] =	vst v0;
	v0 =	vld [tilespmem:s23+$0x1030]  }
0x129: {  	v1 =	vld.idx.msk [tilespmem:v2+s19+$0x0], $0xffff  }
.Ltmp10:
0x12a: {  	(pc) =	sbr.rel @p2 .LBB2_15-.Ltmp10, $2  }
0x12b: {  	_ =	sdelay $0x2  }
0x12c: {  	s25 =	sshra.s32 s24, $0x2;
	s24 =	sadd.s32 $0x100, s24  }
0x12d: {  	_ =	sdelay $0x1  }
0x12e: {  	v2 =	vld [tilespmem:s25+$0x1000]  }
0x12f: {  	[tilespmem:s23+$0x1A720] =	vst v1  }
0x130: {  	v0 =	vld.idx.msk [tilespmem:v0+s19+$0x0], $0xffff;
	_ =	sdelay $0x3  }
0x131: {  	v1 =	vld [tilespmem:s25+$0x1010]  }
0x132: {  	[tilespmem:s23+$0x1A730] =	vst v0  }
0x133: {  	v0 =	vld.idx.msk [tilespmem:v2+s19+$0x0], $0xffff;
	_ =	sdelay $0x3  }
0x134: {  	v62 =	vld [tilespmem:s25+$0x1020]  }
0x135: {  	[tilespmem:s25+$0x1A700] =	vst v0  }
0x136: {  	v1 =	vld.idx.msk [tilespmem:v1+s19+$0x0], $0xffff;
	_ =	sdelay $0x3  }
0x137: {  	v63 =	vld [tilespmem:s25+$0x1030]  }
0x138: {  	[tilespmem:s25+$0x1A710] =	vst v1  }
0x139: {  	v0 =	vld.idx.msk [tilespmem:v62+s19+$0x0], $0xffff;
	_ =	sdelay $0x4  }
0x13a: {  	[tilespmem:s25+$0x1A720] =	vst v0  }
0x13b: {  	v0 =	vld.idx.msk [tilespmem:v63+s19+$0x0], $0xffff  }
.Ltmp11:
0x13c: {  	_ = 	snop;
	(pc) =	sbr.rel .LBB2_17-.Ltmp11, $2  }
0x13d: {  	_ =	sdelay $0x2  }
0x13e: {  	s23 =	smov.u32 s8;
	[tilespmem:s25+$0x1A730] =	vst v0  }
.LBB2_19:
0x13f: {  	_ =	sfence.sel $0x180000  }
0x140: {  	[bflag:$0x0] =	sbarrier.arrive $0xFFFF  }
0x141: {  	p0 =	sne.s32 s0, $0x0;
	_ =	strace $0x90000047  }
0x142: {  	s0 =	sadd.s32 @!p0 $0x100000, s1;
	[bflag:$0x2] =	sbarrier.arrive $0xFFFF  }
0x143: {  	[sflag:s0] =	ssyncadd.tile.s32 @!p0 $0x1;
	_ =	shalt  }
.Lfunc_end2:
_tile_overlayer_lowered:
.L_overlay_start_2:
0x144: {  	(tag) =	ssettag $0x2  }
0x145: {  	s0 =	rddreg [dreg:$0x0];
	s2 =	stileid.u32  }
0x146: {  	s1 =	rddreg [dreg:$0x1];
	p0 =	sne.s32 s2, $0x0  }
0x147: {  	s3 =	rddreg [dreg:$0x2];
	[bflag:$0x3] =	sbarrier.arrive $0xFFFF;
	s2 =	simm.s32 @!p0 $0x1C01  }
0x148: {  	[timem:s3], [sflag:s2] =	dma.local @!p0 [hbm:s0], s1  }
0x149: {  	s0 =	simm.s32 @!p0 $0x1  }
0x14a: {  	_ =	swait.ge @!p0 [sflag:s0], s1  }
0x14b: {  	s1 =	ssub.s32 @!p0 $0x0, s1;
	[sflag:s0] =	ssyncset.done @!p0 $0x0  }
0x14c: {  	[sflag:s0] =	ssyncadd.s32 @!p0 s1  }
0x14d: {  	[bflag:$0x3] =	sbarrier.arrive $0xFFFF  }
0x14e: {  	_ =	shalt  }

</sc_bundles>
